<compile_context>
chip_gen: v7x
topology: tpu7x:2x2x1
jax: 0.10.2.dev20260603
libtpu: 0.0.44.dev20260713+nightly
codegen_flags: <defaults>
</compile_context>

<pallas_src>
import functools

import jax
import jax.numpy as jnp
from jax import lax
from jax.experimental import pallas as pl
from jax.experimental.pallas import tpu as pltpu
from jax.experimental.pallas import tpu_sc as plsc

T = 64
H = 1024
F = 4096
E = 8
TOP_K = 2

BF = 1024
NF = F // BF

L = 16
NGROUPS = T // L


def _logits_kernel(x_ref, gw_ref, out_ref):
    out_ref[...] = jax.lax.dot_general(
        gw_ref[...], x_ref[...], (((0,), (1,)), ((), ())),
        preferred_element_type=jnp.float32,
    )


def _router_sc_kernel(logits_hbm, comb_hbm, lv, cv):
    wid = lax.axis_index("s") * 2 + lax.axis_index("c")

    @pl.when(wid == 0)
    def _():
        pltpu.sync_copy(logits_hbm, lv)
        for g in range(NGROUPS):
            t0 = g * L
            rows = [lv[pl.ds(e * T + t0, L)] for e in range(E)]
            v1 = rows[0]
            for e in range(1, E):
                v1 = jnp.maximum(v1, rows[e])
            big = jnp.full((L,), E, jnp.int32)
            i1 = big
            for e in range(E - 1, -1, -1):
                i1 = jnp.where(rows[e] == v1, jnp.full((L,), e, jnp.int32), i1)
            neg = jnp.full((L,), -jnp.inf, jnp.float32)
            rwm = [jnp.where(i1 == e, neg, rows[e]) for e in range(E)]
            v2 = rwm[0]
            for e in range(1, E):
                v2 = jnp.maximum(v2, rwm[e])
            i2 = big
            for e in range(E - 1, -1, -1):
                i2 = jnp.where(rwm[e] == v2, jnp.full((L,), e, jnp.int32), i2)
            zero = jnp.zeros((L,), jnp.float32)
            kept = [jnp.where((i1 == e) | (i2 == e),
                              jnp.exp(rows[e] - v1), zero)
                    for e in range(E)]
            s2 = kept[0]
            for e in range(1, E):
                s2 = s2 + kept[e]
            for e in range(E):
                cv[pl.ds(e * T + t0, L)] = kept[e] / s2
        pltpu.sync_copy(cv, comb_hbm)


_router_sc = functools.partial(
    pl.kernel,
    mesh=plsc.VectorSubcoreMesh(core_axis_name="c", subcore_axis_name="s"),
    out_type=jax.ShapeDtypeStruct((E * T,), jnp.float32),
    scratch_types=[
        pltpu.VMEM((E * T,), jnp.float32),
        pltpu.VMEM((E * T,), jnp.float32),
    ],
)(_router_sc_kernel)


def _moe_kernel(x_ref, comb_ref, w1_ref, w3_ref, w2_ref, out_ref):
    e = pl.program_id(0)
    f = pl.program_id(1)

    @pl.when((e == 0) & (f == 0))
    def _init():
        out_ref[...] = jnp.zeros_like(out_ref)

    x = x_ref[...]
    w1b = w1_ref[0]
    w3b = w3_ref[0]
    w2b = w2_ref[0]
    g = jax.lax.dot_general(
        x, w1b, (((1,), (1,)), ((), ())), preferred_element_type=jnp.float32)
    u = jax.lax.dot_general(
        x, w3b, (((1,), (1,)), ((), ())), preferred_element_type=jnp.float32)
    eidx = jax.lax.broadcasted_iota(jnp.int32, (E, T), 0)
    c = jnp.sum(jnp.where(eidx == e, comb_ref[...], 0.0), axis=0)
    act = (g * jax.nn.sigmoid(g)) * u * c[:, None]
    out_ref[...] += jax.lax.dot_general(
        act, w2b, (((1,), (1,)), ((), ())), preferred_element_type=jnp.float32)


@jax.jit
def kernel(hidden_states, gate_w, w1, w3, w2):
    logits_t = pl.pallas_call(
        _logits_kernel,
        out_shape=jax.ShapeDtypeStruct((E, T), jnp.float32),
    )(hidden_states, gate_w)
    comb_f = _router_sc(logits_t.reshape(E * T))
    return pl.pallas_call(
        _moe_kernel,
        grid=(E, NF),
        in_specs=[
            pl.BlockSpec((T, H), lambda e, f: (0, 0)),
            pl.BlockSpec((E, T), lambda e, f: (0, 0)),
            pl.BlockSpec((1, BF, H), lambda e, f: (e, f, 0)),
            pl.BlockSpec((1, BF, H), lambda e, f: (e, f, 0)),
            pl.BlockSpec((1, H, BF), lambda e, f: (e, 0, f)),
        ],
        out_specs=pl.BlockSpec((T, H), lambda e, f: (0, 0)),
        out_shape=jax.ShapeDtypeStruct((T, H), jnp.float32),
        compiler_params=pltpu.CompilerParams(
            dimension_semantics=("arbitrary", "arbitrary"),
        ),
    )(hidden_states, comb_f.reshape(E, T), w1, w3, w2)

# --- scband reference (transcript-rebuilt; emitter-appended) ---
"""Pipeline reference for scband-mixtral-mo-e-87686052315716 (READ-ONLY COPY).

The authoritative reference and input builder live on the scoring server;
editing this copy changes nothing except your own understanding.
"""

import jax, jax.numpy as jnp
import numpy as np

T = 64
H = 1024
F = 4096
E = 8
TOP_K = 2


def setup_inputs(seed: int = 0) -> dict:
    key = jax.random.key(seed)
    k0, k1, k2, k3, k4 = jax.random.split(key, 5)
    hidden_states = jax.random.normal(k0, (T, H), dtype=jnp.float32)
    gate_w = jax.random.normal(k1, (H, E), dtype=jnp.float32) * 0.02
    w1 = jax.random.normal(k2, (E, F, H), dtype=jnp.float32) * 0.02  # gate proj
    w3 = jax.random.normal(k3, (E, F, H), dtype=jnp.float32) * 0.02  # up proj
    w2 = jax.random.normal(k4, (E, H, F), dtype=jnp.float32) * 0.02  # down proj
    return {"hidden_states": hidden_states, "gate_w": gate_w, "w1": w1, "w3": w3, "w2": w2}


def reference(hidden_states, gate_w, w1, w3, w2):
    # Router: ReplicatedLinear (no bias)
    router_logits = hidden_states @ gate_w  # [T, E]
    routing_weights = jax.nn.softmax(router_logits, axis=-1)
    topk_vals, topk_idx = jax.lax.top_k(routing_weights, TOP_K)  # [T, K]
    # Mixtral renormalizes the top-k weights
    topk_vals = topk_vals / jnp.sum(topk_vals, axis=-1, keepdims=True)
    # FusedMoE expert computation (SwiGLU): w2 @ (silu(w1 x) * (w3 x))
    gate_out = jnp.einsum('th,efh->tef', hidden_states, w1)  # [T, E, F]
    up_out = jnp.einsum('th,efh->tef', hidden_states, w3)    # [T, E, F]
    act = jax.nn.silu(gate_out) * up_out                      # [T, E, F]
    expert_out = jnp.einsum('tef,ehf->teh', act, w2)          # [T, E, H]
    # Combine weights per token via scatter-add of top-k routing weights
    combine = jnp.zeros((T, E), dtype=hidden_states.dtype).at[
        jnp.arange(T)[:, None], topk_idx
    ].add(topk_vals)  # [T, E]
    output = jnp.einsum('te,teh->th', combine, expert_out)    # [T, H]
    return output

if __name__ == "__main__":
    import jax
    _d = setup_inputs()
    print(jax.jit(kernel)(*tuple(_d.values())))

</pallas_src>

<mosaic_0001>
#map = affine_map<(d0, d1) -> (0)>
module attributes {stable_mosaic.version = 14 : i64} {
  func.func @_router_sc_kernel(%arg0: i32, %arg1: i32, %arg2: memref<512xf32, #tpu.memory_space<hbm>>, %arg3: memref<512xf32, #tpu.memory_space<hbm>>, %arg4: memref<512xf32, #tpu.memory_space<vmem>>, %arg5: memref<512xf32, #tpu.memory_space<vmem>>) attributes {dimension_semantics = [#tpu.dimension_semantics<core_parallel>, #tpu.dimension_semantics<subcore_parallel>], iteration_bounds = array<i64: 2, 16>, scalar_prefetch = 0 : i64, scratch_operands = 2 : i64, tpu.core_type = #tpu.core_type<sc_vector_subcore>, window_params = [{transform_indices = #map}, {transform_indices = #map}]} {
    %mul3A = arith.constant 2 : i32
    %mul3A_0 = arith.muli %arg1, %mul3A : i32
    %add3A = arith.addi %mul3A_0, %arg0 : i32
    %eq3A = arith.constant 0 : i32
    %eq3A_1 = arith.cmpi eq, %add3A, %eq3A : i32
    %convert_element_type3A = arith.extui %eq3A_1 : i1 to i32
    %cond3A = arith.constant 0 : i32
    %cond3A_2 = arith.cmpi ne, %convert_element_type3A, %cond3A : i32
    scf.if %cond3A_2 {
      "tpu.region"() ({
        %run_scoped3A = tpu.sem_alloc : memref<!tpu.dma_semaphore, #tpu.memory_space<semaphore_mem>>
        tpu.enqueue_dma source(%arg2 : memref<512xf32, #tpu.memory_space<hbm>>) target(%arg4 : memref<512xf32, #tpu.memory_space<vmem>>) target_semaphore(%run_scoped3A : memref<!tpu.dma_semaphore, #tpu.memory_space<semaphore_mem>>)
        tpu.wait_dma2 semaphore(%run_scoped3A : memref<!tpu.dma_semaphore, #tpu.memory_space<semaphore_mem>>) src(%arg2 : memref<512xf32, #tpu.memory_space<hbm>>) dst(%arg4 : memref<512xf32, #tpu.memory_space<vmem>>)
        tpu.yield
      }) : () -> ()
      %get3A = arith.constant 0 : index
      %get3A_3 = tpu.vector_load %arg4[%get3A] {strides = array<i32>} : memref<512xf32, #tpu.memory_space<vmem>>, vector<16xf32>,
      %get3A_4 = vector.shape_cast %get3A_3 : vector<16xf32> to vector<16xf32>
      %get3A_5 = arith.constant 64 : index
      %get3A_6 = tpu.vector_load %arg4[%get3A_5] {strides = array<i32>} : memref<512xf32, #tpu.memory_space<vmem>>, vector<16xf32>,
      %get3A_7 = vector.shape_cast %get3A_6 : vector<16xf32> to vector<16xf32>
      %get3A_8 = arith.constant 128 : index
      %get3A_9 = tpu.vector_load %arg4[%get3A_8] {strides = array<i32>} : memref<512xf32, #tpu.memory_space<vmem>>, vector<16xf32>,
      %get3A_10 = vector.shape_cast %get3A_9 : vector<16xf32> to vector<16xf32>
      %get3A_11 = arith.constant 192 : index
      %get3A_12 = tpu.vector_load %arg4[%get3A_11] {strides = array<i32>} : memref<512xf32, #tpu.memory_space<vmem>>, vector<16xf32>,
      %get3A_13 = vector.shape_cast %get3A_12 : vector<16xf32> to vector<16xf32>
      %get3A_14 = arith.constant 256 : index
      %get3A_15 = tpu.vector_load %arg4[%get3A_14] {strides = array<i32>} : memref<512xf32, #tpu.memory_space<vmem>>, vector<16xf32>,
      %get3A_16 = vector.shape_cast %get3A_15 : vector<16xf32> to vector<16xf32>
      %get3A_17 = arith.constant 320 : index
      %get3A_18 = tpu.vector_load %arg4[%get3A_17] {strides = array<i32>} : memref<512xf32, #tpu.memory_space<vmem>>, vector<16xf32>,
      %get3A_19 = vector.shape_cast %get3A_18 : vector<16xf32> to vector<16xf32>
      %get3A_20 = arith.constant 384 : index
      %get3A_21 = tpu.vector_load %arg4[%get3A_20] {strides = array<i32>} : memref<512xf32, #tpu.memory_space<vmem>>, vector<16xf32>,
      %get3A_22 = vector.shape_cast %get3A_21 : vector<16xf32> to vector<16xf32>
      %get3A_23 = arith.constant 448 : index
      %get3A_24 = tpu.vector_load %arg4[%get3A_23] {strides = array<i32>} : memref<512xf32, #tpu.memory_space<vmem>>, vector<16xf32>,
      %get3A_25 = vector.shape_cast %get3A_24 : vector<16xf32> to vector<16xf32>
      %max3A = arith.maximumf %get3A_4, %get3A_7 : vector<16xf32>
      %max3A_26 = arith.maximumf %max3A, %get3A_10 : vector<16xf32>
      %max3A_27 = arith.maximumf %max3A_26, %get3A_13 : vector<16xf32>
      %max3A_28 = arith.maximumf %max3A_27, %get3A_16 : vector<16xf32>
      %max3A_29 = arith.maximumf %max3A_28, %get3A_19 : vector<16xf32>
      %max3A_30 = arith.maximumf %max3A_29, %get3A_22 : vector<16xf32>
      %max3A_31 = arith.maximumf %max3A_30, %get3A_25 : vector<16xf32>
      %broadcast_in_dim3A = arith.constant 8 : i32
      %broadcast_in_dim3A_32 = vector.broadcast %broadcast_in_dim3A : i32 to vector<16xi32>
      %eq3A_33 = arith.cmpf oeq, %get3A_25, %max3A_31 : vector<16xf32>
      %broadcast_in_dim3A_34 = arith.constant 7 : i32
      %broadcast_in_dim3A_35 = vector.broadcast %broadcast_in_dim3A_34 : i32 to vector<16xi32>
      %select_n3A = arith.select %eq3A_33, %broadcast_in_dim3A_35, %broadcast_in_dim3A_32 : vector<16xi1>, vector<16xi32>
      %eq3A_36 = arith.cmpf oeq, %get3A_22, %max3A_31 : vector<16xf32>
      %broadcast_in_dim3A_37 = arith.constant 6 : i32
      %broadcast_in_dim3A_38 = vector.broadcast %broadcast_in_dim3A_37 : i32 to vector<16xi32>
      %select_n3A_39 = arith.select %eq3A_36, %broadcast_in_dim3A_38, %select_n3A : vector<16xi1>, vector<16xi32>
      %eq3A_40 = arith.cmpf oeq, %get3A_19, %max3A_31 : vector<16xf32>
      %broadcast_in_dim3A_41 = arith.constant 5 : i32
      %broadcast_in_dim3A_42 = vector.broadcast %broadcast_in_dim3A_41 : i32 to vector<16xi32>
      %select_n3A_43 = arith.select %eq3A_40, %broadcast_in_dim3A_42, %select_n3A_39 : vector<16xi1>, vector<16xi32>
      %eq3A_44 = arith.cmpf oeq, %get3A_16, %max3A_31 : vector<16xf32>
      %broadcast_in_dim3A_45 = arith.constant 4 : i32
      %broadcast_in_dim3A_46 = vector.broadcast %broadcast_in_dim3A_45 : i32 to vector<16xi32>
      %select_n3A_47 = arith.select %eq3A_44, %broadcast_in_dim3A_46, %select_n3A_43 : vector<16xi1>, vector<16xi32>
      %eq3A_48 = arith.cmpf oeq, %get3A_13, %max3A_31 : vector<16xf32>
      %broadcast_in_dim3A_49 = arith.constant 3 : i32
      %broadcast_in_dim3A_50 = vector.broadcast %broadcast_in_dim3A_49 : i32 to vector<16xi32>
      %select_n3A_51 = arith.select %eq3A_48, %broadcast_in_dim3A_50, %select_n3A_47 : vector<16xi1>, vector<16xi32>
      %eq3A_52 = arith.cmpf oeq, %get3A_10, %max3A_31 : vector<16xf32>
      %broadcast_in_dim3A_53 = arith.constant 2 : i32
      %broadcast_in_dim3A_54 = vector.broadcast %broadcast_in_dim3A_53 : i32 to vector<16xi32>
      %select_n3A_55 = arith.select %eq3A_52, %broadcast_in_dim3A_54, %select_n3A_51 : vector<16xi1>, vector<16xi32>
      %eq3A_56 = arith.cmpf oeq, %get3A_7, %max3A_31 : vector<16xf32>
      %broadcast_in_dim3A_57 = arith.constant 1 : i32
      %broadcast_in_dim3A_58 = vector.broadcast %broadcast_in_dim3A_57 : i32 to vector<16xi32>
      %select_n3A_59 = arith.select %eq3A_56, %broadcast_in_dim3A_58, %select_n3A_55 : vector<16xi1>, vector<16xi32>
      %eq3A_60 = arith.cmpf oeq, %get3A_4, %max3A_31 : vector<16xf32>
      %broadcast_in_dim3A_61 = arith.constant 0 : i32
      %broadcast_in_dim3A_62 = vector.broadcast %broadcast_in_dim3A_61 : i32 to vector<16xi32>
      %select_n3A_63 = arith.select %eq3A_60, %broadcast_in_dim3A_62, %select_n3A_59 : vector<16xi1>, vector<16xi32>
      %broadcast_in_dim3A_64 = arith.constant 0xFF800000 : f32
      %broadcast_in_dim3A_65 = vector.broadcast %broadcast_in_dim3A_64 : f32 to vector<16xf32>
      %eq3A_66 = arith.constant 0 : i32
      %eq3A_67 = vector.broadcast %eq3A_66 : i32 to vector<16xi32>
      %eq3A_68 = arith.cmpi eq, %select_n3A_63, %eq3A_67 : vector<16xi32>
      %select_n3A_69 = arith.select %eq3A_68, %broadcast_in_dim3A_65, %get3A_4 : vector<16xi1>, vector<16xf32>
      %eq3A_70 = arith.constant 1 : i32
      %eq3A_71 = vector.broadcast %eq3A_70 : i32 to vector<16xi32>
      %eq3A_72 = arith.cmpi eq, %select_n3A_63, %eq3A_71 : vector<16xi32>
      %select_n3A_73 = arith.select %eq3A_72, %broadcast_in_dim3A_65, %get3A_7 : vector<16xi1>, vector<16xf32>
      %eq3A_74 = arith.constant 2 : i32
      %eq3A_75 = vector.broadcast %eq3A_74 : i32 to vector<16xi32>
      %eq3A_76 = arith.cmpi eq, %select_n3A_63, %eq3A_75 : vector<16xi32>
      %select_n3A_77 = arith.select %eq3A_76, %broadcast_in_dim3A_65, %get3A_10 : vector<16xi1>, vector<16xf32>
      %eq3A_78 = arith.constant 3 : i32
      %eq3A_79 = vector.broadcast %eq3A_78 : i32 to vector<16xi32>
      %eq3A_80 = arith.cmpi eq, %select_n3A_63, %eq3A_79 : vector<16xi32>
      %select_n3A_81 = arith.select %eq3A_80, %broadcast_in_dim3A_65, %get3A_13 : vector<16xi1>, vector<16xf32>
      %eq3A_82 = arith.constant 4 : i32
      %eq3A_83 = vector.broadcast %eq3A_82 : i32 to vector<16xi32>
      %eq3A_84 = arith.cmpi eq, %select_n3A_63, %eq3A_83 : vector<16xi32>
      %select_n3A_85 = arith.select %eq3A_84, %broadcast_in_dim3A_65, %get3A_16 : vector<16xi1>, vector<16xf32>
      %eq3A_86 = arith.constant 5 : i32
      %eq3A_87 = vector.broadcast %eq3A_86 : i32 to vector<16xi32>
      %eq3A_88 = arith.cmpi eq, %select_n3A_63, %eq3A_87 : vector<16xi32>
      %select_n3A_89 = arith.select %eq3A_88, %broadcast_in_dim3A_65, %get3A_19 : vector<16xi1>, vector<16xf32>
      %eq3A_90 = arith.constant 6 : i32
      %eq3A_91 = vector.broadcast %eq3A_90 : i32 to vector<16xi32>
      %eq3A_92 = arith.cmpi eq, %select_n3A_63, %eq3A_91 : vector<16xi32>
      %select_n3A_93 = arith.select %eq3A_92, %broadcast_in_dim3A_65, %get3A_22 : vector<16xi1>, vector<16xf32>
      %eq3A_94 = arith.constant 7 : i32
      %eq3A_95 = vector.broadcast %eq3A_94 : i32 to vector<16xi32>
      %eq3A_96 = arith.cmpi eq, %select_n3A_63, %eq3A_95 : vector<16xi32>
      %select_n3A_97 = arith.select %eq3A_96, %broadcast_in_dim3A_65, %get3A_25 : vector<16xi1>, vector<16xf32>
      %max3A_98 = arith.maximumf %select_n3A_69, %select_n3A_73 : vector<16xf32>
      %max3A_99 = arith.maximumf %max3A_98, %select_n3A_77 : vector<16xf32>
      %max3A_100 = arith.maximumf %max3A_99, %select_n3A_81 : vector<16xf32>
      %max3A_101 = arith.maximumf %max3A_100, %select_n3A_85 : vector<16xf32>
      %max3A_102 = arith.maximumf %max3A_101, %select_n3A_89 : vector<16xf32>
      %max3A_103 = arith.maximumf %max3A_102, %select_n3A_93 : vector<16xf32>
      %max3A_104 = arith.maximumf %max3A_103, %select_n3A_97 : vector<16xf32>
      %eq3A_105 = arith.cmpf oeq, %select_n3A_97, %max3A_104 : vector<16xf32>
      %broadcast_in_dim3A_106 = arith.constant 7 : i32
      %broadcast_in_dim3A_107 = vector.broadcast %broadcast_in_dim3A_106 : i32 to vector<16xi32>
      %select_n3A_108 = arith.select %eq3A_105, %broadcast_in_dim3A_107, %broadcast_in_dim3A_32 : vector<16xi1>, vector<16xi32>
      %eq3A_109 = arith.cmpf oeq, %select_n3A_93, %max3A_104 : vector<16xf32>
      %broadcast_in_dim3A_110 = arith.constant 6 : i32
      %broadcast_in_dim3A_111 = vector.broadcast %broadcast_in_dim3A_110 : i32 to vector<16xi32>
      %select_n3A_112 = arith.select %eq3A_109, %broadcast_in_dim3A_111, %select_n3A_108 : vector<16xi1>, vector<16xi32>
      %eq3A_113 = arith.cmpf oeq, %select_n3A_89, %max3A_104 : vector<16xf32>
      %broadcast_in_dim3A_114 = arith.constant 5 : i32
      %broadcast_in_dim3A_115 = vector.broadcast %broadcast_in_dim3A_114 : i32 to vector<16xi32>
      %select_n3A_116 = arith.select %eq3A_113, %broadcast_in_dim3A_115, %select_n3A_112 : vector<16xi1>, vector<16xi32>
      %eq3A_117 = arith.cmpf oeq, %select_n3A_85, %max3A_104 : vector<16xf32>
      %broadcast_in_dim3A_118 = arith.constant 4 : i32
      %broadcast_in_dim3A_119 = vector.broadcast %broadcast_in_dim3A_118 : i32 to vector<16xi32>
      %select_n3A_120 = arith.select %eq3A_117, %broadcast_in_dim3A_119, %select_n3A_116 : vector<16xi1>, vector<16xi32>
      %eq3A_121 = arith.cmpf oeq, %select_n3A_81, %max3A_104 : vector<16xf32>
      %broadcast_in_dim3A_122 = arith.constant 3 : i32
      %broadcast_in_dim3A_123 = vector.broadcast %broadcast_in_dim3A_122 : i32 to vector<16xi32>
      %select_n3A_124 = arith.select %eq3A_121, %broadcast_in_dim3A_123, %select_n3A_120 : vector<16xi1>, vector<16xi32>
      %eq3A_125 = arith.cmpf oeq, %select_n3A_77, %max3A_104 : vector<16xf32>
      %broadcast_in_dim3A_126 = arith.constant 2 : i32
      %broadcast_in_dim3A_127 = vector.broadcast %broadcast_in_dim3A_126 : i32 to vector<16xi32>
      %select_n3A_128 = arith.select %eq3A_125, %broadcast_in_dim3A_127, %select_n3A_124 : vector<16xi1>, vector<16xi32>
      %eq3A_129 = arith.cmpf oeq, %select_n3A_73, %max3A_104 : vector<16xf32>
      %broadcast_in_dim3A_130 = arith.constant 1 : i32
      %broadcast_in_dim3A_131 = vector.broadcast %broadcast_in_dim3A_130 : i32 to vector<16xi32>
      %select_n3A_132 = arith.select %eq3A_129, %broadcast_in_dim3A_131, %select_n3A_128 : vector<16xi1>, vector<16xi32>
      %eq3A_133 = arith.cmpf oeq, %select_n3A_69, %max3A_104 : vector<16xf32>
      %broadcast_in_dim3A_134 = arith.constant 0 : i32
      %broadcast_in_dim3A_135 = vector.broadcast %broadcast_in_dim3A_134 : i32 to vector<16xi32>
      %select_n3A_136 = arith.select %eq3A_133, %broadcast_in_dim3A_135, %select_n3A_132 : vector<16xi1>, vector<16xi32>
      %broadcast_in_dim3A_137 = arith.constant 0.000000e+00 : f32
      %broadcast_in_dim3A_138 = vector.broadcast %broadcast_in_dim3A_137 : f32 to vector<16xf32>
      %eq3A_139 = arith.constant 0 : i32
      %eq3A_140 = vector.broadcast %eq3A_139 : i32 to vector<16xi32>
      %eq3A_141 = arith.cmpi eq, %select_n3A_63, %eq3A_140 : vector<16xi32>
      %eq3A_142 = arith.constant 0 : i32
      %eq3A_143 = vector.broadcast %eq3A_142 : i32 to vector<16xi32>
      %eq3A_144 = arith.cmpi eq, %select_n3A_136, %eq3A_143 : vector<16xi32>
      %or3A = arith.ori %eq3A_141, %eq3A_144 : vector<16xi1>
      %sub3A = arith.subf %get3A_4, %max3A_31 : vector<16xf32>
      %exp3A = math.exp %sub3A : vector<16xf32>
      %select_n3A_145 = arith.select %or3A, %exp3A, %broadcast_in_dim3A_138 : vector<16xi1>, vector<16xf32>
      %eq3A_146 = arith.constant 1 : i32
      %eq3A_147 = vector.broadcast %eq3A_146 : i32 to vector<16xi32>
      %eq3A_148 = arith.cmpi eq, %select_n3A_63, %eq3A_147 : vector<16xi32>
      %eq3A_149 = arith.constant 1 : i32
      %eq3A_150 = vector.broadcast %eq3A_149 : i32 to vector<16xi32>
      %eq3A_151 = arith.cmpi eq, %select_n3A_136, %eq3A_150 : vector<16xi32>
      %or3A_152 = arith.ori %eq3A_148, %eq3A_151 : vector<16xi1>
      %sub3A_153 = arith.subf %get3A_7, %max3A_31 : vector<16xf32>
      %exp3A_154 = math.exp %sub3A_153 : vector<16xf32>
      %select_n3A_155 = arith.select %or3A_152, %exp3A_154, %broadcast_in_dim3A_138 : vector<16xi1>, vector<16xf32>
      %eq3A_156 = arith.constant 2 : i32
      %eq3A_157 = vector.broadcast %eq3A_156 : i32 to vector<16xi32>
      %eq3A_158 = arith.cmpi eq, %select_n3A_63, %eq3A_157 : vector<16xi32>
      %eq3A_159 = arith.constant 2 : i32
      %eq3A_160 = vector.broadcast %eq3A_159 : i32 to vector<16xi32>
      %eq3A_161 = arith.cmpi eq, %select_n3A_136, %eq3A_160 : vector<16xi32>
      %or3A_162 = arith.ori %eq3A_158, %eq3A_161 : vector<16xi1>
      %sub3A_163 = arith.subf %get3A_10, %max3A_31 : vector<16xf32>
      %exp3A_164 = math.exp %sub3A_163 : vector<16xf32>
      %select_n3A_165 = arith.select %or3A_162, %exp3A_164, %broadcast_in_dim3A_138 : vector<16xi1>, vector<16xf32>
      %eq3A_166 = arith.constant 3 : i32
      %eq3A_167 = vector.broadcast %eq3A_166 : i32 to vector<16xi32>
      %eq3A_168 = arith.cmpi eq, %select_n3A_63, %eq3A_167 : vector<16xi32>
      %eq3A_169 = arith.constant 3 : i32
      %eq3A_170 = vector.broadcast %eq3A_169 : i32 to vector<16xi32>
      %eq3A_171 = arith.cmpi eq, %select_n3A_136, %eq3A_170 : vector<16xi32>
      %or3A_172 = arith.ori %eq3A_168, %eq3A_171 : vector<16xi1>
      %sub3A_173 = arith.subf %get3A_13, %max3A_31 : vector<16xf32>
      %exp3A_174 = math.exp %sub3A_173 : vector<16xf32>
      %select_n3A_175 = arith.select %or3A_172, %exp3A_174, %broadcast_in_dim3A_138 : vector<16xi1>, vector<16xf32>
      %eq3A_176 = arith.constant 4 : i32
      %eq3A_177 = vector.broadcast %eq3A_176 : i32 to vector<16xi32>
      %eq3A_178 = arith.cmpi eq, %select_n3A_63, %eq3A_177 : vector<16xi32>
      %eq3A_179 = arith.constant 4 : i32
      %eq3A_180 = vector.broadcast %eq3A_179 : i32 to vector<16xi32>
      %eq3A_181 = arith.cmpi eq, %select_n3A_136, %eq3A_180 : vector<16xi32>
      %or3A_182 = arith.ori %eq3A_178, %eq3A_181 : vector<16xi1>
      %sub3A_183 = arith.subf %get3A_16, %max3A_31 : vector<16xf32>
      %exp3A_184 = math.exp %sub3A_183 : vector<16xf32>
      %select_n3A_185 = arith.select %or3A_182, %exp3A_184, %broadcast_in_dim3A_138 : vector<16xi1>, vector<16xf32>
      %eq3A_186 = arith.constant 5 : i32
      %eq3A_187 = vector.broadcast %eq3A_186 : i32 to vector<16xi32>
      %eq3A_188 = arith.cmpi eq, %select_n3A_63, %eq3A_187 : vector<16xi32>
      %eq3A_189 = arith.constant 5 : i32
      %eq3A_190 = vector.broadcast %eq3A_189 : i32 to vector<16xi32>
      %eq3A_191 = arith.cmpi eq, %select_n3A_136, %eq3A_190 : vector<16xi32>
      %or3A_192 = arith.ori %eq3A_188, %eq3A_191 : vector<16xi1>
      %sub3A_193 = arith.subf %get3A_19, %max3A_31 : vector<16xf32>
      %exp3A_194 = math.exp %sub3A_193 : vector<16xf32>
      %select_n3A_195 = arith.select %or3A_192, %exp3A_194, %broadcast_in_dim3A_138 : vector<16xi1>, vector<16xf32>
      %eq3A_196 = arith.constant 6 : i32
      %eq3A_197 = vector.broadcast %eq3A_196 : i32 to vector<16xi32>
      %eq3A_198 = arith.cmpi eq, %select_n3A_63, %eq3A_197 : vector<16xi32>
      %eq3A_199 = arith.constant 6 : i32
      %eq3A_200 = vector.broadcast %eq3A_199 : i32 to vector<16xi32>
      %eq3A_201 = arith.cmpi eq, %select_n3A_136, %eq3A_200 : vector<16xi32>
      %or3A_202 = arith.ori %eq3A_198, %eq3A_201 : vector<16xi1>
      %sub3A_203 = arith.subf %get3A_22, %max3A_31 : vector<16xf32>
      %exp3A_204 = math.exp %sub3A_203 : vector<16xf32>
      %select_n3A_205 = arith.select %or3A_202, %exp3A_204, %broadcast_in_dim3A_138 : vector<16xi1>, vector<16xf32>
      %eq3A_206 = arith.constant 7 : i32
      %eq3A_207 = vector.broadcast %eq3A_206 : i32 to vector<16xi32>
      %eq3A_208 = arith.cmpi eq, %select_n3A_63, %eq3A_207 : vector<16xi32>
      %eq3A_209 = arith.constant 7 : i32
      %eq3A_210 = vector.broadcast %eq3A_209 : i32 to vector<16xi32>
      %eq3A_211 = arith.cmpi eq, %select_n3A_136, %eq3A_210 : vector<16xi32>
      %or3A_212 = arith.ori %eq3A_208, %eq3A_211 : vector<16xi1>
      %sub3A_213 = arith.subf %get3A_25, %max3A_31 : vector<16xf32>
      %exp3A_214 = math.exp %sub3A_213 : vector<16xf32>
      %select_n3A_215 = arith.select %or3A_212, %exp3A_214, %broadcast_in_dim3A_138 : vector<16xi1>, vector<16xf32>
      %add3A_216 = arith.addf %select_n3A_145, %select_n3A_155 : vector<16xf32>
      %add3A_217 = arith.addf %add3A_216, %select_n3A_165 : vector<16xf32>
      %add3A_218 = arith.addf %add3A_217, %select_n3A_175 : vector<16xf32>
      %add3A_219 = arith.addf %add3A_218, %select_n3A_185 : vector<16xf32>
      %add3A_220 = arith.addf %add3A_219, %select_n3A_195 : vector<16xf32>
      %add3A_221 = arith.addf %add3A_220, %select_n3A_205 : vector<16xf32>
      %add3A_222 = arith.addf %add3A_221, %select_n3A_215 : vector<16xf32>
      %div3A = arith.divf %select_n3A_145, %add3A_222 : vector<16xf32>
      %swap3A = arith.constant 0 : index
      %swap3A_223 = tpu.vector_load %arg5[%swap3A] {strides = array<i32>} : memref<512xf32, #tpu.memory_space<vmem>>, vector<16xf32>,
      %swap3A_224 = vector.shape_cast %swap3A_223 : vector<16xf32> to vector<16xf32>
      %swap3A_225 = vector.shape_cast %div3A : vector<16xf32> to vector<16xf32>
      tpu.vector_store %arg5[%swap3A], %swap3A_225 {strides = array<i32>} : memref<512xf32, #tpu.memory_space<vmem>>, vector<16xf32>,
      %div3A_226 = arith.divf %select_n3A_155, %add3A_222 : vector<16xf32>
      %swap3A_227 = arith.constant 64 : index
      %swap3A_228 = tpu.vector_load %arg5[%swap3A_227] {strides = array<i32>} : memref<512xf32, #tpu.memory_space<vmem>>, vector<16xf32>,
      %swap3A_229 = vector.shape_cast %swap3A_228 : vector<16xf32> to vector<16xf32>
      %swap3A_230 = vector.shape_cast %div3A_226 : vector<16xf32> to vector<16xf32>
      tpu.vector_store %arg5[%swap3A_227], %swap3A_230 {strides = array<i32>} : memref<512xf32, #tpu.memory_space<vmem>>, vector<16xf32>,
      %div3A_231 = arith.divf %select_n3A_165, %add3A_222 : vector<16xf32>
      %swap3A_232 = arith.constant 128 : index
      %swap3A_233 = tpu.vector_load %arg5[%swap3A_232] {strides = array<i32>} : memref<512xf32, #tpu.memory_space<vmem>>, vector<16xf32>,
      %swap3A_234 = vector.shape_cast %swap3A_233 : vector<16xf32> to vector<16xf32>
      %swap3A_235 = vector.shape_cast %div3A_231 : vector<16xf32> to vector<16xf32>
      tpu.vector_store %arg5[%swap3A_232], %swap3A_235 {strides = array<i32>} : memref<512xf32, #tpu.memory_space<vmem>>, vector<16xf32>,
      %div3A_236 = arith.divf %select_n3A_175, %add3A_222 : vector<16xf32>
      %swap3A_237 = arith.constant 192 : index
      %swap3A_238 = tpu.vector_load %arg5[%swap3A_237] {strides = array<i32>} : memref<512xf32, #tpu.memory_space<vmem>>, vector<16xf32>,
      %swap3A_239 = vector.shape_cast %swap3A_238 : vector<16xf32> to vector<16xf32>
      %swap3A_240 = vector.shape_cast %div3A_236 : vector<16xf32> to vector<16xf32>
      tpu.vector_store %arg5[%swap3A_237], %swap3A_240 {strides = array<i32>} : memref<512xf32, #tpu.memory_space<vmem>>, vector<16xf32>,
      %div3A_241 = arith.divf %select_n3A_185, %add3A_222 : vector<16xf32>
      %swap3A_242 = arith.constant 256 : index
      %swap3A_243 = tpu.vector_load %arg5[%swap3A_242] {strides = array<i32>} : memref<512xf32, #tpu.memory_space<vmem>>, vector<16xf32>,
      %swap3A_244 = vector.shape_cast %swap3A_243 : vector<16xf32> to vector<16xf32>
      %swap3A_245 = vector.shape_cast %div3A_241 : vector<16xf32> to vector<16xf32>
      tpu.vector_store %arg5[%swap3A_242], %swap3A_245 {strides = array<i32>} : memref<512xf32, #tpu.memory_space<vmem>>, vector<16xf32>,
      %div3A_246 = arith.divf %select_n3A_195, %add3A_222 : vector<16xf32>
      %swap3A_247 = arith.constant 320 : index
      %swap3A_248 = tpu.vector_load %arg5[%swap3A_247] {strides = array<i32>} : memref<512xf32, #tpu.memory_space<vmem>>, vector<16xf32>,
      %swap3A_249 = vector.shape_cast %swap3A_248 : vector<16xf32> to vector<16xf32>
      %swap3A_250 = vector.shape_cast %div3A_246 : vector<16xf32> to vector<16xf32>
      tpu.vector_store %arg5[%swap3A_247], %swap3A_250 {strides = array<i32>} : memref<512xf32, #tpu.memory_space<vmem>>, vector<16xf32>,
      %div3A_251 = arith.divf %select_n3A_205, %add3A_222 : vector<16xf32>
      %swap3A_252 = arith.constant 384 : index
      %swap3A_253 = tpu.vector_load %arg5[%swap3A_252] {strides = array<i32>} : memref<512xf32, #tpu.memory_space<vmem>>, vector<16xf32>,
      %swap3A_254 = vector.shape_cast %swap3A_253 : vector<16xf32> to vector<16xf32>
      %swap3A_255 = vector.shape_cast %div3A_251 : vector<16xf32> to vector<16xf32>
      tpu.vector_store %arg5[%swap3A_252], %swap3A_255 {strides = array<i32>} : memref<512xf32, #tpu.memory_space<vmem>>, vector<16xf32>,
      %div3A_256 = arith.divf %select_n3A_215, %add3A_222 : vector<16xf32>
      %swap3A_257 = arith.constant 448 : index
      %swap3A_258 = tpu.vector_load %arg5[%swap3A_257] {strides = array<i32>} : memref<512xf32, #tpu.memory_space<vmem>>, vector<16xf32>,
      %swap3A_259 = vector.shape_cast %swap3A_258 : vector<16xf32> to vector<16xf32>
      %swap3A_260 = vector.shape_cast %div3A_256 : vector<16xf32> to vector<16xf32>
      tpu.vector_store %arg5[%swap3A_257], %swap3A_260 {strides = array<i32>} : memref<512xf32, #tpu.memory_space<vmem>>, vector<16xf32>,
      %get3A_261 = arith.constant 16 : index
      %get3A_262 = tpu.vector_load %arg4[%get3A_261] {strides = array<i32>} : memref<512xf32, #tpu.memory_space<vmem>>, vector<16xf32>,
      %get3A_263 = vector.shape_cast %get3A_262 : vector<16xf32> to vector<16xf32>
      %get3A_264 = arith.constant 80 : index
      %get3A_265 = tpu.vector_load %arg4[%get3A_264] {strides = array<i32>} : memref<512xf32, #tpu.memory_space<vmem>>, vector<16xf32>,
      %get3A_266 = vector.shape_cast %get3A_265 : vector<16xf32> to vector<16xf32>
      %get3A_267 = arith.constant 144 : index
      %get3A_268 = tpu.vector_load %arg4[%get3A_267] {strides = array<i32>} : memref<512xf32, #tpu.memory_space<vmem>>, vector<16xf32>,
      %get3A_269 = vector.shape_cast %get3A_268 : vector<16xf32> to vector<16xf32>
      %get3A_270 = arith.constant 208 : index
      %get3A_271 = tpu.vector_load %arg4[%get3A_270] {strides = array<i32>} : memref<512xf32, #tpu.memory_space<vmem>>, vector<16xf32>,
      %get3A_272 = vector.shape_cast %get3A_271 : vector<16xf32> to vector<16xf32>
      %get3A_273 = arith.constant 272 : index
      %get3A_274 = tpu.vector_load %arg4[%get3A_273] {strides = array<i32>} : memref<512xf32, #tpu.memory_space<vmem>>, vector<16xf32>,
      %get3A_275 = vector.shape_cast %get3A_274 : vector<16xf32> to vector<16xf32>
      %get3A_276 = arith.constant 336 : index
      %get3A_277 = tpu.vector_load %arg4[%get3A_276] {strides = array<i32>} : memref<512xf32, #tpu.memory_space<vmem>>, vector<16xf32>,
      %get3A_278 = vector.shape_cast %get3A_277 : vector<16xf32> to vector<16xf32>
      %get3A_279 = arith.constant 400 : index
      %get3A_280 = tpu.vector_load %arg4[%get3A_279] {strides = array<i32>} : memref<512xf32, #tpu.memory_space<vmem>>, vector<16xf32>,
      %get3A_281 = vector.shape_cast %get3A_280 : vector<16xf32> to vector<16xf32>
      %get3A_282 = arith.constant 464 : index
      %get3A_283 = tpu.vector_load %arg4[%get3A_282] {strides = array<i32>} : memref<512xf32, #tpu.memory_space<vmem>>, vector<16xf32>,
      %get3A_284 = vector.shape_cast %get3A_283 : vector<16xf32> to vector<16xf32>
      %max3A_285 = arith.maximumf %get3A_263, %get3A_266 : vector<16xf32>
      %max3A_286 = arith.maximumf %max3A_285, %get3A_269 : vector<16xf32>
      %max3A_287 = arith.maximumf %max3A_286, %get3A_272 : vector<16xf32>
      %max3A_288 = arith.maximumf %max3A_287, %get3A_275 : vector<16xf32>
      %max3A_289 = arith.maximumf %max3A_288, %get3A_278 : vector<16xf32>
      %max3A_290 = arith.maximumf %max3A_289, %get3A_281 : vector<16xf32>
      %max3A_291 = arith.maximumf %max3A_290, %get3A_284 : vector<16xf32>
      %broadcast_in_dim3A_292 = arith.constant 8 : i32
      %broadcast_in_dim3A_293 = vector.broadcast %broadcast_in_dim3A_292 : i32 to vector<16xi32>
      %eq3A_294 = arith.cmpf oeq, %get3A_284, %max3A_291 : vector<16xf32>
      %broadcast_in_dim3A_295 = arith.constant 7 : i32
      %broadcast_in_dim3A_296 = vector.broadcast %broadcast_in_dim3A_295 : i32 to vector<16xi32>
      %select_n3A_297 = arith.select %eq3A_294, %broadcast_in_dim3A_296, %broadcast_in_dim3A_293 : vector<16xi1>, vector<16xi32>
      %eq3A_298 = arith.cmpf oeq, %get3A_281, %max3A_291 : vector<16xf32>
      %broadcast_in_dim3A_299 = arith.constant 6 : i32
      %broadcast_in_dim3A_300 = vector.broadcast %broadcast_in_dim3A_299 : i32 to vector<16xi32>
      %select_n3A_301 = arith.select %eq3A_298, %broadcast_in_dim3A_300, %select_n3A_297 : vector<16xi1>, vector<16xi32>
      %eq3A_302 = arith.cmpf oeq, %get3A_278, %max3A_291 : vector<16xf32>
      %broadcast_in_dim3A_303 = arith.constant 5 : i32
      %broadcast_in_dim3A_304 = vector.broadcast %broadcast_in_dim3A_303 : i32 to vector<16xi32>
      %select_n3A_305 = arith.select %eq3A_302, %broadcast_in_dim3A_304, %select_n3A_301 : vector<16xi1>, vector<16xi32>
      %eq3A_306 = arith.cmpf oeq, %get3A_275, %max3A_291 : vector<16xf32>
      %broadcast_in_dim3A_307 = arith.constant 4 : i32
      %broadcast_in_dim3A_308 = vector.broadcast %broadcast_in_dim3A_307 : i32 to vector<16xi32>
      %select_n3A_309 = arith.select %eq3A_306, %broadcast_in_dim3A_308, %select_n3A_305 : vector<16xi1>, vector<16xi32>
      %eq3A_310 = arith.cmpf oeq, %get3A_272, %max3A_291 : vector<16xf32>
      %broadcast_in_dim3A_311 = arith.constant 3 : i32
      %broadcast_in_dim3A_312 = vector.broadcast %broadcast_in_dim3A_311 : i32 to vector<16xi32>
      %select_n3A_313 = arith.select %eq3A_310, %broadcast_in_dim3A_312, %select_n3A_309 : vector<16xi1>, vector<16xi32>
      %eq3A_314 = arith.cmpf oeq, %get3A_269, %max3A_291 : vector<16xf32>
      %broadcast_in_dim3A_315 = arith.constant 2 : i32
      %broadcast_in_dim3A_316 = vector.broadcast %broadcast_in_dim3A_315 : i32 to vector<16xi32>
      %select_n3A_317 = arith.select %eq3A_314, %broadcast_in_dim3A_316, %select_n3A_313 : vector<16xi1>, vector<16xi32>
      %eq3A_318 = arith.cmpf oeq, %get3A_266, %max3A_291 : vector<16xf32>
      %broadcast_in_dim3A_319 = arith.constant 1 : i32
      %broadcast_in_dim3A_320 = vector.broadcast %broadcast_in_dim3A_319 : i32 to vector<16xi32>
      %select_n3A_321 = arith.select %eq3A_318, %broadcast_in_dim3A_320, %select_n3A_317 : vector<16xi1>, vector<16xi32>
      %eq3A_322 = arith.cmpf oeq, %get3A_263, %max3A_291 : vector<16xf32>
      %broadcast_in_dim3A_323 = arith.constant 0 : i32
      %broadcast_in_dim3A_324 = vector.broadcast %broadcast_in_dim3A_323 : i32 to vector<16xi32>
      %select_n3A_325 = arith.select %eq3A_322, %broadcast_in_dim3A_324, %select_n3A_321 : vector<16xi1>, vector<16xi32>
      %broadcast_in_dim3A_326 = arith.constant 0xFF800000 : f32
      %broadcast_in_dim3A_327 = vector.broadcast %broadcast_in_dim3A_326 : f32 to vector<16xf32>
      %eq3A_328 = arith.constant 0 : i32
      %eq3A_329 = vector.broadcast %eq3A_328 : i32 to vector<16xi32>
      %eq3A_330 = arith.cmpi eq, %select_n3A_325, %eq3A_329 : vector<16xi32>
      %select_n3A_331 = arith.select %eq3A_330, %broadcast_in_dim3A_327, %get3A_263 : vector<16xi1>, vector<16xf32>
      %eq3A_332 = arith.constant 1 : i32
      %eq3A_333 = vector.broadcast %eq3A_332 : i32 to vector<16xi32>
      %eq3A_334 = arith.cmpi eq, %select_n3A_325, %eq3A_333 : vector<16xi32>
      %select_n3A_335 = arith.select %eq3A_334, %broadcast_in_dim3A_327, %get3A_266 : vector<16xi1>, vector<16xf32>
      %eq3A_336 = arith.constant 2 : i32
      %eq3A_337 = vector.broadcast %eq3A_336 : i32 to vector<16xi32>
      %eq3A_338 = arith.cmpi eq, %select_n3A_325, %eq3A_337 : vector<16xi32>
      %select_n3A_339 = arith.select %eq3A_338, %broadcast_in_dim3A_327, %get3A_269 : vector<16xi1>, vector<16xf32>
      %eq3A_340 = arith.constant 3 : i32
      %eq3A_341 = vector.broadcast %eq3A_340 : i32 to vector<16xi32>
      %eq3A_342 = arith.cmpi eq, %select_n3A_325, %eq3A_341 : vector<16xi32>
      %select_n3A_343 = arith.select %eq3A_342, %broadcast_in_dim3A_327, %get3A_272 : vector<16xi1>, vector<16xf32>
      %eq3A_344 = arith.constant 4 : i32
      %eq3A_345 = vector.broadcast %eq3A_344 : i32 to vector<16xi32>
      %eq3A_346 = arith.cmpi eq, %select_n3A_325, %eq3A_345 : vector<16xi32>
      %select_n3A_347 = arith.select %eq3A_346, %broadcast_in_dim3A_327, %get3A_275 : vector<16xi1>, vector<16xf32>
      %eq3A_348 = arith.constant 5 : i32
      %eq3A_349 = vector.broadcast %eq3A_348 : i32 to vector<16xi32>
      %eq3A_350 = arith.cmpi eq, %select_n3A_325, %eq3A_349 : vector<16xi32>
      %select_n3A_351 = arith.select %eq3A_350, %broadcast_in_dim3A_327, %get3A_278 : vector<16xi1>, vector<16xf32>
      %eq3A_352 = arith.constant 6 : i32
      %eq3A_353 = vector.broadcast %eq3A_352 : i32 to vector<16xi32>
      %eq3A_354 = arith.cmpi eq, %select_n3A_325, %eq3A_353 : vector<16xi32>
      %select_n3A_355 = arith.select %eq3A_354, %broadcast_in_dim3A_327, %get3A_281 : vector<16xi1>, vector<16xf32>
      %eq3A_356 = arith.constant 7 : i32
      %eq3A_357 = vector.broadcast %eq3A_356 : i32 to vector<16xi32>
      %eq3A_358 = arith.cmpi eq, %select_n3A_325, %eq3A_357 : vector<16xi32>
      %select_n3A_359 = arith.select %eq3A_358, %broadcast_in_dim3A_327, %get3A_284 : vector<16xi1>, vector<16xf32>
      %max3A_360 = arith.maximumf %select_n3A_331, %select_n3A_335 : vector<16xf32>
      %max3A_361 = arith.maximumf %max3A_360, %select_n3A_339 : vector<16xf32>
      %max3A_362 = arith.maximumf %max3A_361, %select_n3A_343 : vector<16xf32>
      %max3A_363 = arith.maximumf %max3A_362, %select_n3A_347 : vector<16xf32>
      %max3A_364 = arith.maximumf %max3A_363, %select_n3A_351 : vector<16xf32>
      %max3A_365 = arith.maximumf %max3A_364, %select_n3A_355 : vector<16xf32>
      %max3A_366 = arith.maximumf %max3A_365, %select_n3A_359 : vector<16xf32>
      %eq3A_367 = arith.cmpf oeq, %select_n3A_359, %max3A_366 : vector<16xf32>
      %broadcast_in_dim3A_368 = arith.constant 7 : i32
      %broadcast_in_dim3A_369 = vector.broadcast %broadcast_in_dim3A_368 : i32 to vector<16xi32>
      %select_n3A_370 = arith.select %eq3A_367, %broadcast_in_dim3A_369, %broadcast_in_dim3A_293 : vector<16xi1>, vector<16xi32>
      %eq3A_371 = arith.cmpf oeq, %select_n3A_355, %max3A_366 : vector<16xf32>
      %broadcast_in_dim3A_372 = arith.constant 6 : i32
      %broadcast_in_dim3A_373 = vector.broadcast %broadcast_in_dim3A_372 : i32 to vector<16xi32>
      %select_n3A_374 = arith.select %eq3A_371, %broadcast_in_dim3A_373, %select_n3A_370 : vector<16xi1>, vector<16xi32>
      %eq3A_375 = arith.cmpf oeq, %select_n3A_351, %max3A_366 : vector<16xf32>
      %broadcast_in_dim3A_376 = arith.constant 5 : i32
      %broadcast_in_dim3A_377 = vector.broadcast %broadcast_in_dim3A_376 : i32 to vector<16xi32>
      %select_n3A_378 = arith.select %eq3A_375, %broadcast_in_dim3A_377, %select_n3A_374 : vector<16xi1>, vector<16xi32>
      %eq3A_379 = arith.cmpf oeq, %select_n3A_347, %max3A_366 : vector<16xf32>
      %broadcast_in_dim3A_380 = arith.constant 4 : i32
      %broadcast_in_dim3A_381 = vector.broadcast %broadcast_in_dim3A_380 : i32 to vector<16xi32>
      %select_n3A_382 = arith.select %eq3A_379, %broadcast_in_dim3A_381, %select_n3A_378 : vector<16xi1>, vector<16xi32>
      %eq3A_383 = arith.cmpf oeq, %select_n3A_343, %max3A_366 : vector<16xf32>
      %broadcast_in_dim3A_384 = arith.constant 3 : i32
      %broadcast_in_dim3A_385 = vector.broadcast %broadcast_in_dim3A_384 : i32 to vector<16xi32>
      %select_n3A_386 = arith.select %eq3A_383, %broadcast_in_dim3A_385, %select_n3A_382 : vector<16xi1>, vector<16xi32>
      %eq3A_387 = arith.cmpf oeq, %select_n3A_339, %max3A_366 : vector<16xf32>
      %broadcast_in_dim3A_388 = arith.constant 2 : i32
      %broadcast_in_dim3A_389 = vector.broadcast %broadcast_in_dim3A_388 : i32 to vector<16xi32>
      %select_n3A_390 = arith.select %eq3A_387, %broadcast_in_dim3A_389, %select_n3A_386 : vector<16xi1>, vector<16xi32>
      %eq3A_391 = arith.cmpf oeq, %select_n3A_335, %max3A_366 : vector<16xf32>
      %broadcast_in_dim3A_392 = arith.constant 1 : i32
      %broadcast_in_dim3A_393 = vector.broadcast %broadcast_in_dim3A_392 : i32 to vector<16xi32>
      %select_n3A_394 = arith.select %eq3A_391, %broadcast_in_dim3A_393, %select_n3A_390 : vector<16xi1>, vector<16xi32>
      %eq3A_395 = arith.cmpf oeq, %select_n3A_331, %max3A_366 : vector<16xf32>
      %broadcast_in_dim3A_396 = arith.constant 0 : i32
      %broadcast_in_dim3A_397 = vector.broadcast %broadcast_in_dim3A_396 : i32 to vector<16xi32>
      %select_n3A_398 = arith.select %eq3A_395, %broadcast_in_dim3A_397, %select_n3A_394 : vector<16xi1>, vector<16xi32>
      %broadcast_in_dim3A_399 = arith.constant 0.000000e+00 : f32
      %broadcast_in_dim3A_400 = vector.broadcast %broadcast_in_dim3A_399 : f32 to vector<16xf32>
      %eq3A_401 = arith.constant 0 : i32
      %eq3A_402 = vector.broadcast %eq3A_401 : i32 to vector<16xi32>
      %eq3A_403 = arith.cmpi eq, %select_n3A_325, %eq3A_402 : vector<16xi32>
      %eq3A_404 = arith.constant 0 : i32
      %eq3A_405 = vector.broadcast %eq3A_404 : i32 to vector<16xi32>
      %eq3A_406 = arith.cmpi eq, %select_n3A_398, %eq3A_405 : vector<16xi32>
      %or3A_407 = arith.ori %eq3A_403, %eq3A_406 : vector<16xi1>
      %sub3A_408 = arith.subf %get3A_263, %max3A_291 : vector<16xf32>
      %exp3A_409 = math.exp %sub3A_408 : vector<16xf32>
      %select_n3A_410 = arith.select %or3A_407, %exp3A_409, %broadcast_in_dim3A_400 : vector<16xi1>, vector<16xf32>
      %eq3A_411 = arith.constant 1 : i32
      %eq3A_412 = vector.broadcast %eq3A_411 : i32 to vector<16xi32>
      %eq3A_413 = arith.cmpi eq, %select_n3A_325, %eq3A_412 : vector<16xi32>
      %eq3A_414 = arith.constant 1 : i32
      %eq3A_415 = vector.broadcast %eq3A_414 : i32 to vector<16xi32>
      %eq3A_416 = arith.cmpi eq, %select_n3A_398, %eq3A_415 : vector<16xi32>
      %or3A_417 = arith.ori %eq3A_413, %eq3A_416 : vector<16xi1>
      %sub3A_418 = arith.subf %get3A_266, %max3A_291 : vector<16xf32>
      %exp3A_419 = math.exp %sub3A_418 : vector<16xf32>
      %select_n3A_420 = arith.select %or3A_417, %exp3A_419, %broadcast_in_dim3A_400 : vector<16xi1>, vector<16xf32>
      %eq3A_421 = arith.constant 2 : i32
      %eq3A_422 = vector.broadcast %eq3A_421 : i32 to vector<16xi32>
      %eq3A_423 = arith.cmpi eq, %select_n3A_325, %eq3A_422 : vector<16xi32>
      %eq3A_424 = arith.constant 2 : i32
      %eq3A_425 = vector.broadcast %eq3A_424 : i32 to vector<16xi32>
      %eq3A_426 = arith.cmpi eq, %select_n3A_398, %eq3A_425 : vector<16xi32>
      %or3A_427 = arith.ori %eq3A_423, %eq3A_426 : vector<16xi1>
      %sub3A_428 = arith.subf %get3A_269, %max3A_291 : vector<16xf32>
      %exp3A_429 = math.exp %sub3A_428 : vector<16xf32>
      %select_n3A_430 = arith.select %or3A_427, %exp3A_429, %broadcast_in_dim3A_400 : vector<16xi1>, vector<16xf32>
      %eq3A_431 = arith.constant 3 : i32
      %eq3A_432 = vector.broadcast %eq3A_431 : i32 to vector<16xi32>
      %eq3A_433 = arith.cmpi eq, %select_n3A_325, %eq3A_432 : vector<16xi32>
      %eq3A_434 = arith.constant 3 : i32
      %eq3A_435 = vector.broadcast %eq3A_434 : i32 to vector<16xi32>
      %eq3A_436 = arith.cmpi eq, %select_n3A_398, %eq3A_435 : vector<16xi32>
      %or3A_437 = arith.ori %eq3A_433, %eq3A_436 : vector<16xi1>
      %sub3A_438 = arith.subf %get3A_272, %max3A_291 : vector<16xf32>
      %exp3A_439 = math.exp %sub3A_438 : vector<16xf32>
      %select_n3A_440 = arith.select %or3A_437, %exp3A_439, %broadcast_in_dim3A_400 : vector<16xi1>, vector<16xf32>
      %eq3A_441 = arith.constant 4 : i32
      %eq3A_442 = vector.broadcast %eq3A_441 : i32 to vector<16xi32>
      %eq3A_443 = arith.cmpi eq, %select_n3A_325, %eq3A_442 : vector<16xi32>
      %eq3A_444 = arith.constant 4 : i32
      %eq3A_445 = vector.broadcast %eq3A_444 : i32 to vector<16xi32>
      %eq3A_446 = arith.cmpi eq, %select_n3A_398, %eq3A_445 : vector<16xi32>
      %or3A_447 = arith.ori %eq3A_443, %eq3A_446 : vector<16xi1>
      %sub3A_448 = arith.subf %get3A_275, %max3A_291 : vector<16xf32>
      %exp3A_449 = math.exp %sub3A_448 : vector<16xf32>
      %select_n3A_450 = arith.select %or3A_447, %exp3A_449, %broadcast_in_dim3A_400 : vector<16xi1>, vector<16xf32>
      %eq3A_451 = arith.constant 5 : i32
      %eq3A_452 = vector.broadcast %eq3A_451 : i32 to vector<16xi32>
      %eq3A_453 = arith.cmpi eq, %select_n3A_325, %eq3A_452 : vector<16xi32>
      %eq3A_454 = arith.constant 5 : i32
      %eq3A_455 = vector.broadcast %eq3A_454 : i32 to vector<16xi32>
      %eq3A_456 = arith.cmpi eq, %select_n3A_398, %eq3A_455 : vector<16xi32>
      %or3A_457 = arith.ori %eq3A_453, %eq3A_456 : vector<16xi1>
      %sub3A_458 = arith.subf %get3A_278, %max3A_291 : vector<16xf32>
      %exp3A_459 = math.exp %sub3A_458 : vector<16xf32>
      %select_n3A_460 = arith.select %or3A_457, %exp3A_459, %broadcast_in_dim3A_400 : vector<16xi1>, vector<16xf32>
      %eq3A_461 = arith.constant 6 : i32
      %eq3A_462 = vector.broadcast %eq3A_461 : i32 to vector<16xi32>
      %eq3A_463 = arith.cmpi eq, %select_n3A_325, %eq3A_462 : vector<16xi32>
      %eq3A_464 = arith.constant 6 : i32
      %eq3A_465 = vector.broadcast %eq3A_464 : i32 to vector<16xi32>
      %eq3A_466 = arith.cmpi eq, %select_n3A_398, %eq3A_465 : vector<16xi32>
      %or3A_467 = arith.ori %eq3A_463, %eq3A_466 : vector<16xi1>
      %sub3A_468 = arith.subf %get3A_281, %max3A_291 : vector<16xf32>
      %exp3A_469 = math.exp %sub3A_468 : vector<16xf32>
      %select_n3A_470 = arith.select %or3A_467, %exp3A_469, %broadcast_in_dim3A_400 : vector<16xi1>, vector<16xf32>
      %eq3A_471 = arith.constant 7 : i32
      %eq3A_472 = vector.broadcast %eq3A_471 : i32 to vector<16xi32>
      %eq3A_473 = arith.cmpi eq, %select_n3A_325, %eq3A_472 : vector<16xi32>
      %eq3A_474 = arith.constant 7 : i32
      %eq3A_475 = vector.broadcast %eq3A_474 : i32 to vector<16xi32>
      %eq3A_476 = arith.cmpi eq, %select_n3A_398, %eq3A_475 : vector<16xi32>
      %or3A_477 = arith.ori %eq3A_473, %eq3A_476 : vector<16xi1>
      %sub3A_478 = arith.subf %get3A_284, %max3A_291 : vector<16xf32>
      %exp3A_479 = math.exp %sub3A_478 : vector<16xf32>
      %select_n3A_480 = arith.select %or3A_477, %exp3A_479, %broadcast_in_dim3A_400 : vector<16xi1>, vector<16xf32>
      %add3A_481 = arith.addf %select_n3A_410, %select_n3A_420 : vector<16xf32>
      %add3A_482 = arith.addf %add3A_481, %select_n3A_430 : vector<16xf32>
      %add3A_483 = arith.addf %add3A_482, %select_n3A_440 : vector<16xf32>
      %add3A_484 = arith.addf %add3A_483, %select_n3A_450 : vector<16xf32>
      %add3A_485 = arith.addf %add3A_484, %select_n3A_460 : vector<16xf32>
      %add3A_486 = arith.addf %add3A_485, %select_n3A_470 : vector<16xf32>
      %add3A_487 = arith.addf %add3A_486, %select_n3A_480 : vector<16xf32>
      %div3A_488 = arith.divf %select_n3A_410, %add3A_487 : vector<16xf32>
      %swap3A_489 = arith.constant 16 : index
      %swap3A_490 = tpu.vector_load %arg5[%swap3A_489] {strides = array<i32>} : memref<512xf32, #tpu.memory_space<vmem>>, vector<16xf32>,
      %swap3A_491 = vector.shape_cast %swap3A_490 : vector<16xf32> to vector<16xf32>
      %swap3A_492 = vector.shape_cast %div3A_488 : vector<16xf32> to vector<16xf32>
      tpu.vector_store %arg5[%swap3A_489], %swap3A_492 {strides = array<i32>} : memref<512xf32, #tpu.memory_space<vmem>>, vector<16xf32>,
      %div3A_493 = arith.divf %select_n3A_420, %add3A_487 : vector<16xf32>
      %swap3A_494 = arith.constant 80 : index
      %swap3A_495 = tpu.vector_load %arg5[%swap3A_494] {strides = array<i32>} : memref<512xf32, #tpu.memory_space<vmem>>, vector<16xf32>,
      %swap3A_496 = vector.shape_cast %swap3A_495 : vector<16xf32> to vector<16xf32>
      %swap3A_497 = vector.shape_cast %div3A_493 : vector<16xf32> to vector<16xf32>
      tpu.vector_store %arg5[%swap3A_494], %swap3A_497 {strides = array<i32>} : memref<512xf32, #tpu.memory_space<vmem>>, vector<16xf32>,
      %div3A_498 = arith.divf %select_n3A_430, %add3A_487 : vector<16xf32>
      %swap3A_499 = arith.constant 144 : index
      %swap3A_500 = tpu.vector_load %arg5[%swap3A_499] {strides = array<i32>} : memref<512xf32, #tpu.memory_space<vmem>>, vector<16xf32>,
      %swap3A_501 = vector.shape_cast %swap3A_500 : vector<16xf32> to vector<16xf32>
      %swap3A_502 = vector.shape_cast %div3A_498 : vector<16xf32> to vector<16xf32>
      tpu.vector_store %arg5[%swap3A_499], %swap3A_502 {strides = array<i32>} : memref<512xf32, #tpu.memory_space<vmem>>, vector<16xf32>,
      %div3A_503 = arith.divf %select_n3A_440, %add3A_487 : vector<16xf32>
      %swap3A_504 = arith.constant 208 : index
      %swap3A_505 = tpu.vector_load %arg5[%swap3A_504] {strides = array<i32>} : memref<512xf32, #tpu.memory_space<vmem>>, vector<16xf32>,
      %swap3A_506 = vector.shape_cast %swap3A_505 : vector<16xf32> to vector<16xf32>
      %swap3A_507 = vector.shape_cast %div3A_503 : vector<16xf32> to vector<16xf32>
      tpu.vector_store %arg5[%swap3A_504], %swap3A_507 {strides = array<i32>} : memref<512xf32, #tpu.memory_space<vmem>>, vector<16xf32>,
      %div3A_508 = arith.divf %select_n3A_450, %add3A_487 : vector<16xf32>
      %swap3A_509 = arith.constant 272 : index
      %swap3A_510 = tpu.vector_load %arg5[%swap3A_509] {strides = array<i32>} : memref<512xf32, #tpu.memory_space<vmem>>, vector<16xf32>,
      %swap3A_511 = vector.shape_cast %swap3A_510 : vector<16xf32> to vector<16xf32>
      %swap3A_512 = vector.shape_cast %div3A_508 : vector<16xf32> to vector<16xf32>
      tpu.vector_store %arg5[%swap3A_509], %swap3A_512 {strides = array<i32>} : memref<512xf32, #tpu.memory_space<vmem>>, vector<16xf32>,
      %div3A_513 = arith.divf %select_n3A_460, %add3A_487 : vector<16xf32>
      %swap3A_514 = arith.constant 336 : index
      %swap3A_515 = tpu.vector_load %arg5[%swap3A_514] {strides = array<i32>} : memref<512xf32, #tpu.memory_space<vmem>>, vector<16xf32>,
      %swap3A_516 = vector.shape_cast %swap3A_515 : vector<16xf32> to vector<16xf32>
      %swap3A_517 = vector.shape_cast %div3A_513 : vector<16xf32> to vector<16xf32>
      tpu.vector_store %arg5[%swap3A_514], %swap3A_517 {strides = array<i32>} : memref<512xf32, #tpu.memory_space<vmem>>, vector<16xf32>,
      %div3A_518 = arith.divf %select_n3A_470, %add3A_487 : vector<16xf32>
      %swap3A_519 = arith.constant 400 : index
      %swap3A_520 = tpu.vector_load %arg5[%swap3A_519] {strides = array<i32>} : memref<512xf32, #tpu.memory_space<vmem>>, vector<16xf32>,
      %swap3A_521 = vector.shape_cast %swap3A_520 : vector<16xf32> to vector<16xf32>
      %swap3A_522 = vector.shape_cast %div3A_518 : vector<16xf32> to vector<16xf32>
      tpu.vector_store %arg5[%swap3A_519], %swap3A_522 {strides = array<i32>} : memref<512xf32, #tpu.memory_space<vmem>>, vector<16xf32>,
      %div3A_523 = arith.divf %select_n3A_480, %add3A_487 : vector<16xf32>
      %swap3A_524 = arith.constant 464 : index
      %swap3A_525 = tpu.vector_load %arg5[%swap3A_524] {strides = array<i32>} : memref<512xf32, #tpu.memory_space<vmem>>, vector<16xf32>,
      %swap3A_526 = vector.shape_cast %swap3A_525 : vector<16xf32> to vector<16xf32>
      %swap3A_527 = vector.shape_cast %div3A_523 : vector<16xf32> to vector<16xf32>
      tpu.vector_store %arg5[%swap3A_524], %swap3A_527 {strides = array<i32>} : memref<512xf32, #tpu.memory_space<vmem>>, vector<16xf32>,
      %get3A_528 = arith.constant 32 : index
      %get3A_529 = tpu.vector_load %arg4[%get3A_528] {strides = array<i32>} : memref<512xf32, #tpu.memory_space<vmem>>, vector<16xf32>,
      %get3A_530 = vector.shape_cast %get3A_529 : vector<16xf32> to vector<16xf32>
      %get3A_531 = arith.constant 96 : index
      %get3A_532 = tpu.vector_load %arg4[%get3A_531] {strides = array<i32>} : memref<512xf32, #tpu.memory_space<vmem>>, vector<16xf32>,
      %get3A_533 = vector.shape_cast %get3A_532 : vector<16xf32> to vector<16xf32>
      %get3A_534 = arith.constant 160 : index
      %get3A_535 = tpu.vector_load %arg4[%get3A_534] {strides = array<i32>} : memref<512xf32, #tpu.memory_space<vmem>>, vector<16xf32>,
      %get3A_536 = vector.shape_cast %get3A_535 : vector<16xf32> to vector<16xf32>
      %get3A_537 = arith.constant 224 : index
      %get3A_538 = tpu.vector_load %arg4[%get3A_537] {strides = array<i32>} : memref<512xf32, #tpu.memory_space<vmem>>, vector<16xf32>,
      %get3A_539 = vector.shape_cast %get3A_538 : vector<16xf32> to vector<16xf32>
      %get3A_540 = arith.constant 288 : index
      %get3A_541 = tpu.vector_load %arg4[%get3A_540] {strides = array<i32>} : memref<512xf32, #tpu.memory_space<vmem>>, vector<16xf32>,
      %get3A_542 = vector.shape_cast %get3A_541 : vector<16xf32> to vector<16xf32>
      %get3A_543 = arith.constant 352 : index
      %get3A_544 = tpu.vector_load %arg4[%get3A_543] {strides = array<i32>} : memref<512xf32, #tpu.memory_space<vmem>>, vector<16xf32>,
      %get3A_545 = vector.shape_cast %get3A_544 : vector<16xf32> to vector<16xf32>
      %get3A_546 = arith.constant 416 : index
      %get3A_547 = tpu.vector_load %arg4[%get3A_546] {strides = array<i32>} : memref<512xf32, #tpu.memory_space<vmem>>, vector<16xf32>,
      %get3A_548 = vector.shape_cast %get3A_547 : vector<16xf32> to vector<16xf32>
      %get3A_549 = arith.constant 480 : index
      %get3A_550 = tpu.vector_load %arg4[%get3A_549] {strides = array<i32>} : memref<512xf32, #tpu.memory_space<vmem>>, vector<16xf32>,
      %get3A_551 = vector.shape_cast %get3A_550 : vector<16xf32> to vector<16xf32>
      %max3A_552 = arith.maximumf %get3A_530, %get3A_533 : vector<16xf32>
      %max3A_553 = arith.maximumf %max3A_552, %get3A_536 : vector<16xf32>
      %max3A_554 = arith.maximumf %max3A_553, %get3A_539 : vector<16xf32>
      %max3A_555 = arith.maximumf %max3A_554, %get3A_542 : vector<16xf32>
      %max3A_556 = arith.maximumf %max3A_555, %get3A_545 : vector<16xf32>
      %max3A_557 = arith.maximumf %max3A_556, %get3A_548 : vector<16xf32>
      %max3A_558 = arith.maximumf %max3A_557, %get3A_551 : vector<16xf32>
      %broadcast_in_dim3A_559 = arith.constant 8 : i32
      %broadcast_in_dim3A_560 = vector.broadcast %broadcast_in_dim3A_559 : i32 to vector<16xi32>
      %eq3A_561 = arith.cmpf oeq, %get3A_551, %max3A_558 : vector<16xf32>
      %broadcast_in_dim3A_562 = arith.constant 7 : i32
      %broadcast_in_dim3A_563 = vector.broadcast %broadcast_in_dim3A_562 : i32 to vector<16xi32>
      %select_n3A_564 = arith.select %eq3A_561, %broadcast_in_dim3A_563, %broadcast_in_dim3A_560 : vector<16xi1>, vector<16xi32>
      %eq3A_565 = arith.cmpf oeq, %get3A_548, %max3A_558 : vector<16xf32>
      %broadcast_in_dim3A_566 = arith.constant 6 : i32
      %broadcast_in_dim3A_567 = vector.broadcast %broadcast_in_dim3A_566 : i32 to vector<16xi32>
      %select_n3A_568 = arith.select %eq3A_565, %broadcast_in_dim3A_567, %select_n3A_564 : vector<16xi1>, vector<16xi32>
      %eq3A_569 = arith.cmpf oeq, %get3A_545, %max3A_558 : vector<16xf32>
      %broadcast_in_dim3A_570 = arith.constant 5 : i32
      %broadcast_in_dim3A_571 = vector.broadcast %broadcast_in_dim3A_570 : i32 to vector<16xi32>
      %select_n3A_572 = arith.select %eq3A_569, %broadcast_in_dim3A_571, %select_n3A_568 : vector<16xi1>, vector<16xi32>
      %eq3A_573 = arith.cmpf oeq, %get3A_542, %max3A_558 : vector<16xf32>
      %broadcast_in_dim3A_574 = arith.constant 4 : i32
      %broadcast_in_dim3A_575 = vector.broadcast %broadcast_in_dim3A_574 : i32 to vector<16xi32>
      %select_n3A_576 = arith.select %eq3A_573, %broadcast_in_dim3A_575, %select_n3A_572 : vector<16xi1>, vector<16xi32>
      %eq3A_577 = arith.cmpf oeq, %get3A_539, %max3A_558 : vector<16xf32>
      %broadcast_in_dim3A_578 = arith.constant 3 : i32
      %broadcast_in_dim3A_579 = vector.broadcast %broadcast_in_dim3A_578 : i32 to vector<16xi32>
      %select_n3A_580 = arith.select %eq3A_577, %broadcast_in_dim3A_579, %select_n3A_576 : vector<16xi1>, vector<16xi32>
      %eq3A_581 = arith.cmpf oeq, %get3A_536, %max3A_558 : vector<16xf32>
      %broadcast_in_dim3A_582 = arith.constant 2 : i32
      %broadcast_in_dim3A_583 = vector.broadcast %broadcast_in_dim3A_582 : i32 to vector<16xi32>
      %select_n3A_584 = arith.select %eq3A_581, %broadcast_in_dim3A_583, %select_n3A_580 : vector<16xi1>, vector<16xi32>
      %eq3A_585 = arith.cmpf oeq, %get3A_533, %max3A_558 : vector<16xf32>
      %broadcast_in_dim3A_586 = arith.constant 1 : i32
      %broadcast_in_dim3A_587 = vector.broadcast %broadcast_in_dim3A_586 : i32 to vector<16xi32>
      %select_n3A_588 = arith.select %eq3A_585, %broadcast_in_dim3A_587, %select_n3A_584 : vector<16xi1>, vector<16xi32>
      %eq3A_589 = arith.cmpf oeq, %get3A_530, %max3A_558 : vector<16xf32>
      %broadcast_in_dim3A_590 = arith.constant 0 : i32
      %broadcast_in_dim3A_591 = vector.broadcast %broadcast_in_dim3A_590 : i32 to vector<16xi32>
      %select_n3A_592 = arith.select %eq3A_589, %broadcast_in_dim3A_591, %select_n3A_588 : vector<16xi1>, vector<16xi32>
      %broadcast_in_dim3A_593 = arith.constant 0xFF800000 : f32
      %broadcast_in_dim3A_594 = vector.broadcast %broadcast_in_dim3A_593 : f32 to vector<16xf32>
      %eq3A_595 = arith.constant 0 : i32
      %eq3A_596 = vector.broadcast %eq3A_595 : i32 to vector<16xi32>
      %eq3A_597 = arith.cmpi eq, %select_n3A_592, %eq3A_596 : vector<16xi32>
      %select_n3A_598 = arith.select %eq3A_597, %broadcast_in_dim3A_594, %get3A_530 : vector<16xi1>, vector<16xf32>
      %eq3A_599 = arith.constant 1 : i32
      %eq3A_600 = vector.broadcast %eq3A_599 : i32 to vector<16xi32>
      %eq3A_601 = arith.cmpi eq, %select_n3A_592, %eq3A_600 : vector<16xi32>
      %select_n3A_602 = arith.select %eq3A_601, %broadcast_in_dim3A_594, %get3A_533 : vector<16xi1>, vector<16xf32>
      %eq3A_603 = arith.constant 2 : i32
      %eq3A_604 = vector.broadcast %eq3A_603 : i32 to vector<16xi32>
      %eq3A_605 = arith.cmpi eq, %select_n3A_592, %eq3A_604 : vector<16xi32>
      %select_n3A_606 = arith.select %eq3A_605, %broadcast_in_dim3A_594, %get3A_536 : vector<16xi1>, vector<16xf32>
      %eq3A_607 = arith.constant 3 : i32
      %eq3A_608 = vector.broadcast %eq3A_607 : i32 to vector<16xi32>
      %eq3A_609 = arith.cmpi eq, %select_n3A_592, %eq3A_608 : vector<16xi32>
      %select_n3A_610 = arith.select %eq3A_609, %broadcast_in_dim3A_594, %get3A_539 : vector<16xi1>, vector<16xf32>
      %eq3A_611 = arith.constant 4 : i32
      %eq3A_612 = vector.broadcast %eq3A_611 : i32 to vector<16xi32>
      %eq3A_613 = arith.cmpi eq, %select_n3A_592, %eq3A_612 : vector<16xi32>
      %select_n3A_614 = arith.select %eq3A_613, %broadcast_in_dim3A_594, %get3A_542 : vector<16xi1>, vector<16xf32>
      %eq3A_615 = arith.constant 5 : i32
      %eq3A_616 = vector.broadcast %eq3A_615 : i32 to vector<16xi32>
      %eq3A_617 = arith.cmpi eq, %select_n3A_592, %eq3A_616 : vector<16xi32>
      %select_n3A_618 = arith.select %eq3A_617, %broadcast_in_dim3A_594, %get3A_545 : vector<16xi1>, vector<16xf32>
      %eq3A_619 = arith.constant 6 : i32
      %eq3A_620 = vector.broadcast %eq3A_619 : i32 to vector<16xi32>
      %eq3A_621 = arith.cmpi eq, %select_n3A_592, %eq3A_620 : vector<16xi32>
      %select_n3A_622 = arith.select %eq3A_621, %broadcast_in_dim3A_594, %get3A_548 : vector<16xi1>, vector<16xf32>
      %eq3A_623 = arith.constant 7 : i32
      %eq3A_624 = vector.broadcast %eq3A_623 : i32 to vector<16xi32>
      %eq3A_625 = arith.cmpi eq, %select_n3A_592, %eq3A_624 : vector<16xi32>
      %select_n3A_626 = arith.select %eq3A_625, %broadcast_in_dim3A_594, %get3A_551 : vector<16xi1>, vector<16xf32>
      %max3A_627 = arith.maximumf %select_n3A_598, %select_n3A_602 : vector<16xf32>
      %max3A_628 = arith.maximumf %max3A_627, %select_n3A_606 : vector<16xf32>
      %max3A_629 = arith.maximumf %max3A_628, %select_n3A_610 : vector<16xf32>
      %max3A_630 = arith.maximumf %max3A_629, %select_n3A_614 : vector<16xf32>
      %max3A_631 = arith.maximumf %max3A_630, %select_n3A_618 : vector<16xf32>
      %max3A_632 = arith.maximumf %max3A_631, %select_n3A_622 : vector<16xf32>
      %max3A_633 = arith.maximumf %max3A_632, %select_n3A_626 : vector<16xf32>
      %eq3A_634 = arith.cmpf oeq, %select_n3A_626, %max3A_633 : vector<16xf32>
      %broadcast_in_dim3A_635 = arith.constant 7 : i32
      %broadcast_in_dim3A_636 = vector.broadcast %broadcast_in_dim3A_635 : i32 to vector<16xi32>
      %select_n3A_637 = arith.select %eq3A_634, %broadcast_in_dim3A_636, %broadcast_in_dim3A_560 : vector<16xi1>, vector<16xi32>
      %eq3A_638 = arith.cmpf oeq, %select_n3A_622, %max3A_633 : vector<16xf32>
      %broadcast_in_dim3A_639 = arith.constant 6 : i32
      %broadcast_in_dim3A_640 = vector.broadcast %broadcast_in_dim3A_639 : i32 to vector<16xi32>
      %select_n3A_641 = arith.select %eq3A_638, %broadcast_in_dim3A_640, %select_n3A_637 : vector<16xi1>, vector<16xi32>
      %eq3A_642 = arith.cmpf oeq, %select_n3A_618, %max3A_633 : vector<16xf32>
      %broadcast_in_dim3A_643 = arith.constant 5 : i32
      %broadcast_in_dim3A_644 = vector.broadcast %broadcast_in_dim3A_643 : i32 to vector<16xi32>
      %select_n3A_645 = arith.select %eq3A_642, %broadcast_in_dim3A_644, %select_n3A_641 : vector<16xi1>, vector<16xi32>
      %eq3A_646 = arith.cmpf oeq, %select_n3A_614, %max3A_633 : vector<16xf32>
      %broadcast_in_dim3A_647 = arith.constant 4 : i32
      %broadcast_in_dim3A_648 = vector.broadcast %broadcast_in_dim3A_647 : i32 to vector<16xi32>
      %select_n3A_649 = arith.select %eq3A_646, %broadcast_in_dim3A_648, %select_n3A_645 : vector<16xi1>, vector<16xi32>
      %eq3A_650 = arith.cmpf oeq, %select_n3A_610, %max3A_633 : vector<16xf32>
      %broadcast_in_dim3A_651 = arith.constant 3 : i32
      %broadcast_in_dim3A_652 = vector.broadcast %broadcast_in_dim3A_651 : i32 to vector<16xi32>
      %select_n3A_653 = arith.select %eq3A_650, %broadcast_in_dim3A_652, %select_n3A_649 : vector<16xi1>, vector<16xi32>
      %eq3A_654 = arith.cmpf oeq, %select_n3A_606, %max3A_633 : vector<16xf32>
      %broadcast_in_dim3A_655 = arith.constant 2 : i32
      %broadcast_in_dim3A_656 = vector.broadcast %broadcast_in_dim3A_655 : i32 to vector<16xi32>
      %select_n3A_657 = arith.select %eq3A_654, %broadcast_in_dim3A_656, %select_n3A_653 : vector<16xi1>, vector<16xi32>
      %eq3A_658 = arith.cmpf oeq, %select_n3A_602, %max3A_633 : vector<16xf32>
      %broadcast_in_dim3A_659 = arith.constant 1 : i32
      %broadcast_in_dim3A_660 = vector.broadcast %broadcast_in_dim3A_659 : i32 to vector<16xi32>
      %select_n3A_661 = arith.select %eq3A_658, %broadcast_in_dim3A_660, %select_n3A_657 : vector<16xi1>, vector<16xi32>
      %eq3A_662 = arith.cmpf oeq, %select_n3A_598, %max3A_633 : vector<16xf32>
      %broadcast_in_dim3A_663 = arith.constant 0 : i32
      %broadcast_in_dim3A_664 = vector.broadcast %broadcast_in_dim3A_663 : i32 to vector<16xi32>
      %select_n3A_665 = arith.select %eq3A_662, %broadcast_in_dim3A_664, %select_n3A_661 : vector<16xi1>, vector<16xi32>
      %broadcast_in_dim3A_666 = arith.constant 0.000000e+00 : f32
      %broadcast_in_dim3A_667 = vector.broadcast %broadcast_in_dim3A_666 : f32 to vector<16xf32>
      %eq3A_668 = arith.constant 0 : i32
      %eq3A_669 = vector.broadcast %eq3A_668 : i32 to vector<16xi32>
      %eq3A_670 = arith.cmpi eq, %select_n3A_592, %eq3A_669 : vector<16xi32>
      %eq3A_671 = arith.constant 0 : i32
      %eq3A_672 = vector.broadcast %eq3A_671 : i32 to vector<16xi32>
      %eq3A_673 = arith.cmpi eq, %select_n3A_665, %eq3A_672 : vector<16xi32>
      %or3A_674 = arith.ori %eq3A_670, %eq3A_673 : vector<16xi1>
      %sub3A_675 = arith.subf %get3A_530, %max3A_558 : vector<16xf32>
      %exp3A_676 = math.exp %sub3A_675 : vector<16xf32>
      %select_n3A_677 = arith.select %or3A_674, %exp3A_676, %broadcast_in_dim3A_667 : vector<16xi1>, vector<16xf32>
      %eq3A_678 = arith.constant 1 : i32
      %eq3A_679 = vector.broadcast %eq3A_678 : i32 to vector<16xi32>
      %eq3A_680 = arith.cmpi eq, %select_n3A_592, %eq3A_679 : vector<16xi32>
      %eq3A_681 = arith.constant 1 : i32
      %eq3A_682 = vector.broadcast %eq3A_681 : i32 to vector<16xi32>
      %eq3A_683 = arith.cmpi eq, %select_n3A_665, %eq3A_682 : vector<16xi32>
      %or3A_684 = arith.ori %eq3A_680, %eq3A_683 : vector<16xi1>
      %sub3A_685 = arith.subf %get3A_533, %max3A_558 : vector<16xf32>
      %exp3A_686 = math.exp %sub3A_685 : vector<16xf32>
      %select_n3A_687 = arith.select %or3A_684, %exp3A_686, %broadcast_in_dim3A_667 : vector<16xi1>, vector<16xf32>
      %eq3A_688 = arith.constant 2 : i32
      %eq3A_689 = vector.broadcast %eq3A_688 : i32 to vector<16xi32>
      %eq3A_690 = arith.cmpi eq, %select_n3A_592, %eq3A_689 : vector<16xi32>
      %eq3A_691 = arith.constant 2 : i32
      %eq3A_692 = vector.broadcast %eq3A_691 : i32 to vector<16xi32>
      %eq3A_693 = arith.cmpi eq, %select_n3A_665, %eq3A_692 : vector<16xi32>
      %or3A_694 = arith.ori %eq3A_690, %eq3A_693 : vector<16xi1>
      %sub3A_695 = arith.subf %get3A_536, %max3A_558 : vector<16xf32>
      %exp3A_696 = math.exp %sub3A_695 : vector<16xf32>
      %select_n3A_697 = arith.select %or3A_694, %exp3A_696, %broadcast_in_dim3A_667 : vector<16xi1>, vector<16xf32>
      %eq3A_698 = arith.constant 3 : i32
      %eq3A_699 = vector.broadcast %eq3A_698 : i32 to vector<16xi32>
      %eq3A_700 = arith.cmpi eq, %select_n3A_592, %eq3A_699 : vector<16xi32>
      %eq3A_701 = arith.constant 3 : i32
      %eq3A_702 = vector.broadcast %eq3A_701 : i32 to vector<16xi32>
      %eq3A_703 = arith.cmpi eq, %select_n3A_665, %eq3A_702 : vector<16xi32>
      %or3A_704 = arith.ori %eq3A_700, %eq3A_703 : vector<16xi1>
      %sub3A_705 = arith.subf %get3A_539, %max3A_558 : vector<16xf32>
      %exp3A_706 = math.exp %sub3A_705 : vector<16xf32>
      %select_n3A_707 = arith.select %or3A_704, %exp3A_706, %broadcast_in_dim3A_667 : vector<16xi1>, vector<16xf32>
      %eq3A_708 = arith.constant 4 : i32
      %eq3A_709 = vector.broadcast %eq3A_708 : i32 to vector<16xi32>
      %eq3A_710 = arith.cmpi eq, %select_n3A_592, %eq3A_709 : vector<16xi32>
      %eq3A_711 = arith.constant 4 : i32
      %eq3A_712 = vector.broadcast %eq3A_711 : i32 to vector<16xi32>
      %eq3A_713 = arith.cmpi eq, %select_n3A_665, %eq3A_712 : vector<16xi32>
      %or3A_714 = arith.ori %eq3A_710, %eq3A_713 : vector<16xi1>
      %sub3A_715 = arith.subf %get3A_542, %max3A_558 : vector<16xf32>
      %exp3A_716 = math.exp %sub3A_715 : vector<16xf32>
      %select_n3A_717 = arith.select %or3A_714, %exp3A_716, %broadcast_in_dim3A_667 : vector<16xi1>, vector<16xf32>
      %eq3A_718 = arith.constant 5 : i32
      %eq3A_719 = vector.broadcast %eq3A_718 : i32 to vector<16xi32>
      %eq3A_720 = arith.cmpi eq, %select_n3A_592, %eq3A_719 : vector<16xi32>
      %eq3A_721 = arith.constant 5 : i32
      %eq3A_722 = vector.broadcast %eq3A_721 : i32 to vector<16xi32>
      %eq3A_723 = arith.cmpi eq, %select_n3A_665, %eq3A_722 : vector<16xi32>
      %or3A_724 = arith.ori %eq3A_720, %eq3A_723 : vector<16xi1>
      %sub3A_725 = arith.subf %get3A_545, %max3A_558 : vector<16xf32>
      %exp3A_726 = math.exp %sub3A_725 : vector<16xf32>
      %select_n3A_727 = arith.select %or3A_724, %exp3A_726, %broadcast_in_dim3A_667 : vector<16xi1>, vector<16xf32>
      %eq3A_728 = arith.constant 6 : i32
      %eq3A_729 = vector.broadcast %eq3A_728 : i32 to vector<16xi32>
      %eq3A_730 = arith.cmpi eq, %select_n3A_592, %eq3A_729 : vector<16xi32>
      %eq3A_731 = arith.constant 6 : i32
      %eq3A_732 = vector.broadcast %eq3A_731 : i32 to vector<16xi32>
      %eq3A_733 = arith.cmpi eq, %select_n3A_665, %eq3A_732 : vector<16xi32>
      %or3A_734 = arith.ori %eq3A_730, %eq3A_733 : vector<16xi1>
      %sub3A_735 = arith.subf %get3A_548, %max3A_558 : vector<16xf32>
      %exp3A_736 = math.exp %sub3A_735 : vector<16xf32>
      %select_n3A_737 = arith.select %or3A_734, %exp3A_736, %broadcast_in_dim3A_667 : vector<16xi1>, vector<16xf32>
      %eq3A_738 = arith.constant 7 : i32
      %eq3A_739 = vector.broadcast %eq3A_738 : i32 to vector<16xi32>
      %eq3A_740 = arith.cmpi eq, %select_n3A_592, %eq3A_739 : vector<16xi32>
      %eq3A_741 = arith.constant 7 : i32
      %eq3A_742 = vector.broadcast %eq3A_741 : i32 to vector<16xi32>
      %eq3A_743 = arith.cmpi eq, %select_n3A_665, %eq3A_742 : vector<16xi32>
      %or3A_744 = arith.ori %eq3A_740, %eq3A_743 : vector<16xi1>
      %sub3A_745 = arith.subf %get3A_551, %max3A_558 : vector<16xf32>
      %exp3A_746 = math.exp %sub3A_745 : vector<16xf32>
      %select_n3A_747 = arith.select %or3A_744, %exp3A_746, %broadcast_in_dim3A_667 : vector<16xi1>, vector<16xf32>
      %add3A_748 = arith.addf %select_n3A_677, %select_n3A_687 : vector<16xf32>
      %add3A_749 = arith.addf %add3A_748, %select_n3A_697 : vector<16xf32>
      %add3A_750 = arith.addf %add3A_749, %select_n3A_707 : vector<16xf32>
      %add3A_751 = arith.addf %add3A_750, %select_n3A_717 : vector<16xf32>
      %add3A_752 = arith.addf %add3A_751, %select_n3A_727 : vector<16xf32>
      %add3A_753 = arith.addf %add3A_752, %select_n3A_737 : vector<16xf32>
      %add3A_754 = arith.addf %add3A_753, %select_n3A_747 : vector<16xf32>
      %div3A_755 = arith.divf %select_n3A_677, %add3A_754 : vector<16xf32>
      %swap3A_756 = arith.constant 32 : index
      %swap3A_757 = tpu.vector_load %arg5[%swap3A_756] {strides = array<i32>} : memref<512xf32, #tpu.memory_space<vmem>>, vector<16xf32>,
      %swap3A_758 = vector.shape_cast %swap3A_757 : vector<16xf32> to vector<16xf32>
      %swap3A_759 = vector.shape_cast %div3A_755 : vector<16xf32> to vector<16xf32>
      tpu.vector_store %arg5[%swap3A_756], %swap3A_759 {strides = array<i32>} : memref<512xf32, #tpu.memory_space<vmem>>, vector<16xf32>,
      %div3A_760 = arith.divf %select_n3A_687, %add3A_754 : vector<16xf32>
      %swap3A_761 = arith.constant 96 : index
      %swap3A_762 = tpu.vector_load %arg5[%swap3A_761] {strides = array<i32>} : memref<512xf32, #tpu.memory_space<vmem>>, vector<16xf32>,
      %swap3A_763 = vector.shape_cast %swap3A_762 : vector<16xf32> to vector<16xf32>
      %swap3A_764 = vector.shape_cast %div3A_760 : vector<16xf32> to vector<16xf32>
      tpu.vector_store %arg5[%swap3A_761], %swap3A_764 {strides = array<i32>} : memref<512xf32, #tpu.memory_space<vmem>>, vector<16xf32>,
      %div3A_765 = arith.divf %select_n3A_697, %add3A_754 : vector<16xf32>
      %swap3A_766 = arith.constant 160 : index
      %swap3A_767 = tpu.vector_load %arg5[%swap3A_766] {strides = array<i32>} : memref<512xf32, #tpu.memory_space<vmem>>, vector<16xf32>,
      %swap3A_768 = vector.shape_cast %swap3A_767 : vector<16xf32> to vector<16xf32>
      %swap3A_769 = vector.shape_cast %div3A_765 : vector<16xf32> to vector<16xf32>
      tpu.vector_store %arg5[%swap3A_766], %swap3A_769 {strides = array<i32>} : memref<512xf32, #tpu.memory_space<vmem>>, vector<16xf32>,
      %div3A_770 = arith.divf %select_n3A_707, %add3A_754 : vector<16xf32>
      %swap3A_771 = arith.constant 224 : index
      %swap3A_772 = tpu.vector_load %arg5[%swap3A_771] {strides = array<i32>} : memref<512xf32, #tpu.memory_space<vmem>>, vector<16xf32>,
      %swap3A_773 = vector.shape_cast %swap3A_772 : vector<16xf32> to vector<16xf32>
      %swap3A_774 = vector.shape_cast %div3A_770 : vector<16xf32> to vector<16xf32>
      tpu.vector_store %arg5[%swap3A_771], %swap3A_774 {strides = array<i32>} : memref<512xf32, #tpu.memory_space<vmem>>, vector<16xf32>,
      %div3A_775 = arith.divf %select_n3A_717, %add3A_754 : vector<16xf32>
      %swap3A_776 = arith.constant 288 : index
      %swap3A_777 = tpu.vector_load %arg5[%swap3A_776] {strides = array<i32>} : memref<512xf32, #tpu.memory_space<vmem>>, vector<16xf32>,
      %swap3A_778 = vector.shape_cast %swap3A_777 : vector<16xf32> to vector<16xf32>
      %swap3A_779 = vector.shape_cast %div3A_775 : vector<16xf32> to vector<16xf32>
      tpu.vector_store %arg5[%swap3A_776], %swap3A_779 {strides = array<i32>} : memref<512xf32, #tpu.memory_space<vmem>>, vector<16xf32>,
      %div3A_780 = arith.divf %select_n3A_727, %add3A_754 : vector<16xf32>
      %swap3A_781 = arith.constant 352 : index
      %swap3A_782 = tpu.vector_load %arg5[%swap3A_781] {strides = array<i32>} : memref<512xf32, #tpu.memory_space<vmem>>, vector<16xf32>,
      %swap3A_783 = vector.shape_cast %swap3A_782 : vector<16xf32> to vector<16xf32>
      %swap3A_784 = vector.shape_cast %div3A_780 : vector<16xf32> to vector<16xf32>
      tpu.vector_store %arg5[%swap3A_781], %swap3A_784 {strides = array<i32>} : memref<512xf32, #tpu.memory_space<vmem>>, vector<16xf32>,
      %div3A_785 = arith.divf %select_n3A_737, %add3A_754 : vector<16xf32>
      %swap3A_786 = arith.constant 416 : index
      %swap3A_787 = tpu.vector_load %arg5[%swap3A_786] {strides = array<i32>} : memref<512xf32, #tpu.memory_space<vmem>>, vector<16xf32>,
      %swap3A_788 = vector.shape_cast %swap3A_787 : vector<16xf32> to vector<16xf32>
      %swap3A_789 = vector.shape_cast %div3A_785 : vector<16xf32> to vector<16xf32>
      tpu.vector_store %arg5[%swap3A_786], %swap3A_789 {strides = array<i32>} : memref<512xf32, #tpu.memory_space<vmem>>, vector<16xf32>,
      %div3A_790 = arith.divf %select_n3A_747, %add3A_754 : vector<16xf32>
      %swap3A_791 = arith.constant 480 : index
      %swap3A_792 = tpu.vector_load %arg5[%swap3A_791] {strides = array<i32>} : memref<512xf32, #tpu.memory_space<vmem>>, vector<16xf32>,
      %swap3A_793 = vector.shape_cast %swap3A_792 : vector<16xf32> to vector<16xf32>
      %swap3A_794 = vector.shape_cast %div3A_790 : vector<16xf32> to vector<16xf32>
      tpu.vector_store %arg5[%swap3A_791], %swap3A_794 {strides = array<i32>} : memref<512xf32, #tpu.memory_space<vmem>>, vector<16xf32>,
      %get3A_795 = arith.constant 48 : index
      %get3A_796 = tpu.vector_load %arg4[%get3A_795] {strides = array<i32>} : memref<512xf32, #tpu.memory_space<vmem>>, vector<16xf32>,
      %get3A_797 = vector.shape_cast %get3A_796 : vector<16xf32> to vector<16xf32>
      %get3A_798 = arith.constant 112 : index
      %get3A_799 = tpu.vector_load %arg4[%get3A_798] {strides = array<i32>} : memref<512xf32, #tpu.memory_space<vmem>>, vector<16xf32>,
      %get3A_800 = vector.shape_cast %get3A_799 : vector<16xf32> to vector<16xf32>
      %get3A_801 = arith.constant 176 : index
      %get3A_802 = tpu.vector_load %arg4[%get3A_801] {strides = array<i32>} : memref<512xf32, #tpu.memory_space<vmem>>, vector<16xf32>,
      %get3A_803 = vector.shape_cast %get3A_802 : vector<16xf32> to vector<16xf32>
      %get3A_804 = arith.constant 240 : index
      %get3A_805 = tpu.vector_load %arg4[%get3A_804] {strides = array<i32>} : memref<512xf32, #tpu.memory_space<vmem>>, vector<16xf32>,
      %get3A_806 = vector.shape_cast %get3A_805 : vector<16xf32> to vector<16xf32>
      %get3A_807 = arith.constant 304 : index
      %get3A_808 = tpu.vector_load %arg4[%get3A_807] {strides = array<i32>} : memref<512xf32, #tpu.memory_space<vmem>>, vector<16xf32>,
      %get3A_809 = vector.shape_cast %get3A_808 : vector<16xf32> to vector<16xf32>
      %get3A_810 = arith.constant 368 : index
      %get3A_811 = tpu.vector_load %arg4[%get3A_810] {strides = array<i32>} : memref<512xf32, #tpu.memory_space<vmem>>, vector<16xf32>,
      %get3A_812 = vector.shape_cast %get3A_811 : vector<16xf32> to vector<16xf32>
      %get3A_813 = arith.constant 432 : index
      %get3A_814 = tpu.vector_load %arg4[%get3A_813] {strides = array<i32>} : memref<512xf32, #tpu.memory_space<vmem>>, vector<16xf32>,
      %get3A_815 = vector.shape_cast %get3A_814 : vector<16xf32> to vector<16xf32>
      %get3A_816 = arith.constant 496 : index
      %get3A_817 = tpu.vector_load %arg4[%get3A_816] {strides = array<i32>} : memref<512xf32, #tpu.memory_space<vmem>>, vector<16xf32>,
      %get3A_818 = vector.shape_cast %get3A_817 : vector<16xf32> to vector<16xf32>
      %max3A_819 = arith.maximumf %get3A_797, %get3A_800 : vector<16xf32>
      %max3A_820 = arith.maximumf %max3A_819, %get3A_803 : vector<16xf32>
      %max3A_821 = arith.maximumf %max3A_820, %get3A_806 : vector<16xf32>
      %max3A_822 = arith.maximumf %max3A_821, %get3A_809 : vector<16xf32>
      %max3A_823 = arith.maximumf %max3A_822, %get3A_812 : vector<16xf32>
      %max3A_824 = arith.maximumf %max3A_823, %get3A_815 : vector<16xf32>
      %max3A_825 = arith.maximumf %max3A_824, %get3A_818 : vector<16xf32>
      %broadcast_in_dim3A_826 = arith.constant 8 : i32
      %broadcast_in_dim3A_827 = vector.broadcast %broadcast_in_dim3A_826 : i32 to vector<16xi32>
      %eq3A_828 = arith.cmpf oeq, %get3A_818, %max3A_825 : vector<16xf32>
      %broadcast_in_dim3A_829 = arith.constant 7 : i32
      %broadcast_in_dim3A_830 = vector.broadcast %broadcast_in_dim3A_829 : i32 to vector<16xi32>
      %select_n3A_831 = arith.select %eq3A_828, %broadcast_in_dim3A_830, %broadcast_in_dim3A_827 : vector<16xi1>, vector<16xi32>
      %eq3A_832 = arith.cmpf oeq, %get3A_815, %max3A_825 : vector<16xf32>
      %broadcast_in_dim3A_833 = arith.constant 6 : i32
      %broadcast_in_dim3A_834 = vector.broadcast %broadcast_in_dim3A_833 : i32 to vector<16xi32>
      %select_n3A_835 = arith.select %eq3A_832, %broadcast_in_dim3A_834, %select_n3A_831 : vector<16xi1>, vector<16xi32>
      %eq3A_836 = arith.cmpf oeq, %get3A_812, %max3A_825 : vector<16xf32>
      %broadcast_in_dim3A_837 = arith.constant 5 : i32
      %broadcast_in_dim3A_838 = vector.broadcast %broadcast_in_dim3A_837 : i32 to vector<16xi32>
      %select_n3A_839 = arith.select %eq3A_836, %broadcast_in_dim3A_838, %select_n3A_835 : vector<16xi1>, vector<16xi32>
      %eq3A_840 = arith.cmpf oeq, %get3A_809, %max3A_825 : vector<16xf32>
      %broadcast_in_dim3A_841 = arith.constant 4 : i32
      %broadcast_in_dim3A_842 = vector.broadcast %broadcast_in_dim3A_841 : i32 to vector<16xi32>
      %select_n3A_843 = arith.select %eq3A_840, %broadcast_in_dim3A_842, %select_n3A_839 : vector<16xi1>, vector<16xi32>
      %eq3A_844 = arith.cmpf oeq, %get3A_806, %max3A_825 : vector<16xf32>
      %broadcast_in_dim3A_845 = arith.constant 3 : i32
      %broadcast_in_dim3A_846 = vector.broadcast %broadcast_in_dim3A_845 : i32 to vector<16xi32>
      %select_n3A_847 = arith.select %eq3A_844, %broadcast_in_dim3A_846, %select_n3A_843 : vector<16xi1>, vector<16xi32>
      %eq3A_848 = arith.cmpf oeq, %get3A_803, %max3A_825 : vector<16xf32>
      %broadcast_in_dim3A_849 = arith.constant 2 : i32
      %broadcast_in_dim3A_850 = vector.broadcast %broadcast_in_dim3A_849 : i32 to vector<16xi32>
      %select_n3A_851 = arith.select %eq3A_848, %broadcast_in_dim3A_850, %select_n3A_847 : vector<16xi1>, vector<16xi32>
      %eq3A_852 = arith.cmpf oeq, %get3A_800, %max3A_825 : vector<16xf32>
      %broadcast_in_dim3A_853 = arith.constant 1 : i32
      %broadcast_in_dim3A_854 = vector.broadcast %broadcast_in_dim3A_853 : i32 to vector<16xi32>
      %select_n3A_855 = arith.select %eq3A_852, %broadcast_in_dim3A_854, %select_n3A_851 : vector<16xi1>, vector<16xi32>
      %eq3A_856 = arith.cmpf oeq, %get3A_797, %max3A_825 : vector<16xf32>
      %broadcast_in_dim3A_857 = arith.constant 0 : i32
      %broadcast_in_dim3A_858 = vector.broadcast %broadcast_in_dim3A_857 : i32 to vector<16xi32>
      %select_n3A_859 = arith.select %eq3A_856, %broadcast_in_dim3A_858, %select_n3A_855 : vector<16xi1>, vector<16xi32>
      %broadcast_in_dim3A_860 = arith.constant 0xFF800000 : f32
      %broadcast_in_dim3A_861 = vector.broadcast %broadcast_in_dim3A_860 : f32 to vector<16xf32>
      %eq3A_862 = arith.constant 0 : i32
      %eq3A_863 = vector.broadcast %eq3A_862 : i32 to vector<16xi32>
      %eq3A_864 = arith.cmpi eq, %select_n3A_859, %eq3A_863 : vector<16xi32>
      %select_n3A_865 = arith.select %eq3A_864, %broadcast_in_dim3A_861, %get3A_797 : vector<16xi1>, vector<16xf32>
      %eq3A_866 = arith.constant 1 : i32
      %eq3A_867 = vector.broadcast %eq3A_866 : i32 to vector<16xi32>
      %eq3A_868 = arith.cmpi eq, %select_n3A_859, %eq3A_867 : vector<16xi32>
      %select_n3A_869 = arith.select %eq3A_868, %broadcast_in_dim3A_861, %get3A_800 : vector<16xi1>, vector<16xf32>
      %eq3A_870 = arith.constant 2 : i32
      %eq3A_871 = vector.broadcast %eq3A_870 : i32 to vector<16xi32>
      %eq3A_872 = arith.cmpi eq, %select_n3A_859, %eq3A_871 : vector<16xi32>
      %select_n3A_873 = arith.select %eq3A_872, %broadcast_in_dim3A_861, %get3A_803 : vector<16xi1>, vector<16xf32>
      %eq3A_874 = arith.constant 3 : i32
      %eq3A_875 = vector.broadcast %eq3A_874 : i32 to vector<16xi32>
      %eq3A_876 = arith.cmpi eq, %select_n3A_859, %eq3A_875 : vector<16xi32>
      %select_n3A_877 = arith.select %eq3A_876, %broadcast_in_dim3A_861, %get3A_806 : vector<16xi1>, vector<16xf32>
      %eq3A_878 = arith.constant 4 : i32
      %eq3A_879 = vector.broadcast %eq3A_878 : i32 to vector<16xi32>
      %eq3A_880 = arith.cmpi eq, %select_n3A_859, %eq3A_879 : vector<16xi32>
      %select_n3A_881 = arith.select %eq3A_880, %broadcast_in_dim3A_861, %get3A_809 : vector<16xi1>, vector<16xf32>
      %eq3A_882 = arith.constant 5 : i32
      %eq3A_883 = vector.broadcast %eq3A_882 : i32 to vector<16xi32>
      %eq3A_884 = arith.cmpi eq, %select_n3A_859, %eq3A_883 : vector<16xi32>
      %select_n3A_885 = arith.select %eq3A_884, %broadcast_in_dim3A_861, %get3A_812 : vector<16xi1>, vector<16xf32>
      %eq3A_886 = arith.constant 6 : i32
      %eq3A_887 = vector.broadcast %eq3A_886 : i32 to vector<16xi32>
      %eq3A_888 = arith.cmpi eq, %select_n3A_859, %eq3A_887 : vector<16xi32>
      %select_n3A_889 = arith.select %eq3A_888, %broadcast_in_dim3A_861, %get3A_815 : vector<16xi1>, vector<16xf32>
      %eq3A_890 = arith.constant 7 : i32
      %eq3A_891 = vector.broadcast %eq3A_890 : i32 to vector<16xi32>
      %eq3A_892 = arith.cmpi eq, %select_n3A_859, %eq3A_891 : vector<16xi32>
      %select_n3A_893 = arith.select %eq3A_892, %broadcast_in_dim3A_861, %get3A_818 : vector<16xi1>, vector<16xf32>
      %max3A_894 = arith.maximumf %select_n3A_865, %select_n3A_869 : vector<16xf32>
      %max3A_895 = arith.maximumf %max3A_894, %select_n3A_873 : vector<16xf32>
      %max3A_896 = arith.maximumf %max3A_895, %select_n3A_877 : vector<16xf32>
      %max3A_897 = arith.maximumf %max3A_896, %select_n3A_881 : vector<16xf32>
      %max3A_898 = arith.maximumf %max3A_897, %select_n3A_885 : vector<16xf32>
      %max3A_899 = arith.maximumf %max3A_898, %select_n3A_889 : vector<16xf32>
      %max3A_900 = arith.maximumf %max3A_899, %select_n3A_893 : vector<16xf32>
      %eq3A_901 = arith.cmpf oeq, %select_n3A_893, %max3A_900 : vector<16xf32>
      %broadcast_in_dim3A_902 = arith.constant 7 : i32
      %broadcast_in_dim3A_903 = vector.broadcast %broadcast_in_dim3A_902 : i32 to vector<16xi32>
      %select_n3A_904 = arith.select %eq3A_901, %broadcast_in_dim3A_903, %broadcast_in_dim3A_827 : vector<16xi1>, vector<16xi32>
      %eq3A_905 = arith.cmpf oeq, %select_n3A_889, %max3A_900 : vector<16xf32>
      %broadcast_in_dim3A_906 = arith.constant 6 : i32
      %broadcast_in_dim3A_907 = vector.broadcast %broadcast_in_dim3A_906 : i32 to vector<16xi32>
      %select_n3A_908 = arith.select %eq3A_905, %broadcast_in_dim3A_907, %select_n3A_904 : vector<16xi1>, vector<16xi32>
      %eq3A_909 = arith.cmpf oeq, %select_n3A_885, %max3A_900 : vector<16xf32>
      %broadcast_in_dim3A_910 = arith.constant 5 : i32
      %broadcast_in_dim3A_911 = vector.broadcast %broadcast_in_dim3A_910 : i32 to vector<16xi32>
      %select_n3A_912 = arith.select %eq3A_909, %broadcast_in_dim3A_911, %select_n3A_908 : vector<16xi1>, vector<16xi32>
      %eq3A_913 = arith.cmpf oeq, %select_n3A_881, %max3A_900 : vector<16xf32>
      %broadcast_in_dim3A_914 = arith.constant 4 : i32
      %broadcast_in_dim3A_915 = vector.broadcast %broadcast_in_dim3A_914 : i32 to vector<16xi32>
      %select_n3A_916 = arith.select %eq3A_913, %broadcast_in_dim3A_915, %select_n3A_912 : vector<16xi1>, vector<16xi32>
      %eq3A_917 = arith.cmpf oeq, %select_n3A_877, %max3A_900 : vector<16xf32>
      %broadcast_in_dim3A_918 = arith.constant 3 : i32
      %broadcast_in_dim3A_919 = vector.broadcast %broadcast_in_dim3A_918 : i32 to vector<16xi32>
      %select_n3A_920 = arith.select %eq3A_917, %broadcast_in_dim3A_919, %select_n3A_916 : vector<16xi1>, vector<16xi32>
      %eq3A_921 = arith.cmpf oeq, %select_n3A_873, %max3A_900 : vector<16xf32>
      %broadcast_in_dim3A_922 = arith.constant 2 : i32
      %broadcast_in_dim3A_923 = vector.broadcast %broadcast_in_dim3A_922 : i32 to vector<16xi32>
      %select_n3A_924 = arith.select %eq3A_921, %broadcast_in_dim3A_923, %select_n3A_920 : vector<16xi1>, vector<16xi32>
      %eq3A_925 = arith.cmpf oeq, %select_n3A_869, %max3A_900 : vector<16xf32>
      %broadcast_in_dim3A_926 = arith.constant 1 : i32
      %broadcast_in_dim3A_927 = vector.broadcast %broadcast_in_dim3A_926 : i32 to vector<16xi32>
      %select_n3A_928 = arith.select %eq3A_925, %broadcast_in_dim3A_927, %select_n3A_924 : vector<16xi1>, vector<16xi32>
      %eq3A_929 = arith.cmpf oeq, %select_n3A_865, %max3A_900 : vector<16xf32>
      %broadcast_in_dim3A_930 = arith.constant 0 : i32
      %broadcast_in_dim3A_931 = vector.broadcast %broadcast_in_dim3A_930 : i32 to vector<16xi32>
      %select_n3A_932 = arith.select %eq3A_929, %broadcast_in_dim3A_931, %select_n3A_928 : vector<16xi1>, vector<16xi32>
      %broadcast_in_dim3A_933 = arith.constant 0.000000e+00 : f32
      %broadcast_in_dim3A_934 = vector.broadcast %broadcast_in_dim3A_933 : f32 to vector<16xf32>
      %eq3A_935 = arith.constant 0 : i32
      %eq3A_936 = vector.broadcast %eq3A_935 : i32 to vector<16xi32>
      %eq3A_937 = arith.cmpi eq, %select_n3A_859, %eq3A_936 : vector<16xi32>
      %eq3A_938 = arith.constant 0 : i32
      %eq3A_939 = vector.broadcast %eq3A_938 : i32 to vector<16xi32>
      %eq3A_940 = arith.cmpi eq, %select_n3A_932, %eq3A_939 : vector<16xi32>
      %or3A_941 = arith.ori %eq3A_937, %eq3A_940 : vector<16xi1>
      %sub3A_942 = arith.subf %get3A_797, %max3A_825 : vector<16xf32>
      %exp3A_943 = math.exp %sub3A_942 : vector<16xf32>
      %select_n3A_944 = arith.select %or3A_941, %exp3A_943, %broadcast_in_dim3A_934 : vector<16xi1>, vector<16xf32>
      %eq3A_945 = arith.constant 1 : i32
      %eq3A_946 = vector.broadcast %eq3A_945 : i32 to vector<16xi32>
      %eq3A_947 = arith.cmpi eq, %select_n3A_859, %eq3A_946 : vector<16xi32>
      %eq3A_948 = arith.constant 1 : i32
      %eq3A_949 = vector.broadcast %eq3A_948 : i32 to vector<16xi32>
      %eq3A_950 = arith.cmpi eq, %select_n3A_932, %eq3A_949 : vector<16xi32>
      %or3A_951 = arith.ori %eq3A_947, %eq3A_950 : vector<16xi1>
      %sub3A_952 = arith.subf %get3A_800, %max3A_825 : vector<16xf32>
      %exp3A_953 = math.exp %sub3A_952 : vector<16xf32>
      %select_n3A_954 = arith.select %or3A_951, %exp3A_953, %broadcast_in_dim3A_934 : vector<16xi1>, vector<16xf32>
      %eq3A_955 = arith.constant 2 : i32
      %eq3A_956 = vector.broadcast %eq3A_955 : i32 to vector<16xi32>
      %eq3A_957 = arith.cmpi eq, %select_n3A_859, %eq3A_956 : vector<16xi32>
      %eq3A_958 = arith.constant 2 : i32
      %eq3A_959 = vector.broadcast %eq3A_958 : i32 to vector<16xi32>
      %eq3A_960 = arith.cmpi eq, %select_n3A_932, %eq3A_959 : vector<16xi32>
      %or3A_961 = arith.ori %eq3A_957, %eq3A_960 : vector<16xi1>
      %sub3A_962 = arith.subf %get3A_803, %max3A_825 : vector<16xf32>
      %exp3A_963 = math.exp %sub3A_962 : vector<16xf32>
      %select_n3A_964 = arith.select %or3A_961, %exp3A_963, %broadcast_in_dim3A_934 : vector<16xi1>, vector<16xf32>
      %eq3A_965 = arith.constant 3 : i32
      %eq3A_966 = vector.broadcast %eq3A_965 : i32 to vector<16xi32>
      %eq3A_967 = arith.cmpi eq, %select_n3A_859, %eq3A_966 : vector<16xi32>
      %eq3A_968 = arith.constant 3 : i32
      %eq3A_969 = vector.broadcast %eq3A_968 : i32 to vector<16xi32>
      %eq3A_970 = arith.cmpi eq, %select_n3A_932, %eq3A_969 : vector<16xi32>
      %or3A_971 = arith.ori %eq3A_967, %eq3A_970 : vector<16xi1>
      %sub3A_972 = arith.subf %get3A_806, %max3A_825 : vector<16xf32>
      %exp3A_973 = math.exp %sub3A_972 : vector<16xf32>
      %select_n3A_974 = arith.select %or3A_971, %exp3A_973, %broadcast_in_dim3A_934 : vector<16xi1>, vector<16xf32>
      %eq3A_975 = arith.constant 4 : i32
      %eq3A_976 = vector.broadcast %eq3A_975 : i32 to vector<16xi32>
      %eq3A_977 = arith.cmpi eq, %select_n3A_859, %eq3A_976 : vector<16xi32>
      %eq3A_978 = arith.constant 4 : i32
      %eq3A_979 = vector.broadcast %eq3A_978 : i32 to vector<16xi32>
      %eq3A_980 = arith.cmpi eq, %select_n3A_932, %eq3A_979 : vector<16xi32>
      %or3A_981 = arith.ori %eq3A_977, %eq3A_980 : vector<16xi1>
      %sub3A_982 = arith.subf %get3A_809, %max3A_825 : vector<16xf32>
      %exp3A_983 = math.exp %sub3A_982 : vector<16xf32>
      %select_n3A_984 = arith.select %or3A_981, %exp3A_983, %broadcast_in_dim3A_934 : vector<16xi1>, vector<16xf32>
      %eq3A_985 = arith.constant 5 : i32
      %eq3A_986 = vector.broadcast %eq3A_985 : i32 to vector<16xi32>
      %eq3A_987 = arith.cmpi eq, %select_n3A_859, %eq3A_986 : vector<16xi32>
      %eq3A_988 = arith.constant 5 : i32
      %eq3A_989 = vector.broadcast %eq3A_988 : i32 to vector<16xi32>
      %eq3A_990 = arith.cmpi eq, %select_n3A_932, %eq3A_989 : vector<16xi32>
      %or3A_991 = arith.ori %eq3A_987, %eq3A_990 : vector<16xi1>
      %sub3A_992 = arith.subf %get3A_812, %max3A_825 : vector<16xf32>
      %exp3A_993 = math.exp %sub3A_992 : vector<16xf32>
      %select_n3A_994 = arith.select %or3A_991, %exp3A_993, %broadcast_in_dim3A_934 : vector<16xi1>, vector<16xf32>
      %eq3A_995 = arith.constant 6 : i32
      %eq3A_996 = vector.broadcast %eq3A_995 : i32 to vector<16xi32>
      %eq3A_997 = arith.cmpi eq, %select_n3A_859, %eq3A_996 : vector<16xi32>
      %eq3A_998 = arith.constant 6 : i32
      %eq3A_999 = vector.broadcast %eq3A_998 : i32 to vector<16xi32>
      %eq3A_1000 = arith.cmpi eq, %select_n3A_932, %eq3A_999 : vector<16xi32>
      %or3A_1001 = arith.ori %eq3A_997, %eq3A_1000 : vector<16xi1>
      %sub3A_1002 = arith.subf %get3A_815, %max3A_825 : vector<16xf32>
      %exp3A_1003 = math.exp %sub3A_1002 : vector<16xf32>
      %select_n3A_1004 = arith.select %or3A_1001, %exp3A_1003, %broadcast_in_dim3A_934 : vector<16xi1>, vector<16xf32>
      %eq3A_1005 = arith.constant 7 : i32
      %eq3A_1006 = vector.broadcast %eq3A_1005 : i32 to vector<16xi32>
      %eq3A_1007 = arith.cmpi eq, %select_n3A_859, %eq3A_1006 : vector<16xi32>
      %eq3A_1008 = arith.constant 7 : i32
      %eq3A_1009 = vector.broadcast %eq3A_1008 : i32 to vector<16xi32>
      %eq3A_1010 = arith.cmpi eq, %select_n3A_932, %eq3A_1009 : vector<16xi32>
      %or3A_1011 = arith.ori %eq3A_1007, %eq3A_1010 : vector<16xi1>
      %sub3A_1012 = arith.subf %get3A_818, %max3A_825 : vector<16xf32>
      %exp3A_1013 = math.exp %sub3A_1012 : vector<16xf32>
      %select_n3A_1014 = arith.select %or3A_1011, %exp3A_1013, %broadcast_in_dim3A_934 : vector<16xi1>, vector<16xf32>
      %add3A_1015 = arith.addf %select_n3A_944, %select_n3A_954 : vector<16xf32>
      %add3A_1016 = arith.addf %add3A_1015, %select_n3A_964 : vector<16xf32>
      %add3A_1017 = arith.addf %add3A_1016, %select_n3A_974 : vector<16xf32>
      %add3A_1018 = arith.addf %add3A_1017, %select_n3A_984 : vector<16xf32>
      %add3A_1019 = arith.addf %add3A_1018, %select_n3A_994 : vector<16xf32>
      %add3A_1020 = arith.addf %add3A_1019, %select_n3A_1004 : vector<16xf32>
      %add3A_1021 = arith.addf %add3A_1020, %select_n3A_1014 : vector<16xf32>
      %div3A_1022 = arith.divf %select_n3A_944, %add3A_1021 : vector<16xf32>
      %swap3A_1023 = arith.constant 48 : index
      %swap3A_1024 = tpu.vector_load %arg5[%swap3A_1023] {strides = array<i32>} : memref<512xf32, #tpu.memory_space<vmem>>, vector<16xf32>,
      %swap3A_1025 = vector.shape_cast %swap3A_1024 : vector<16xf32> to vector<16xf32>
      %swap3A_1026 = vector.shape_cast %div3A_1022 : vector<16xf32> to vector<16xf32>
      tpu.vector_store %arg5[%swap3A_1023], %swap3A_1026 {strides = array<i32>} : memref<512xf32, #tpu.memory_space<vmem>>, vector<16xf32>,
      %div3A_1027 = arith.divf %select_n3A_954, %add3A_1021 : vector<16xf32>
      %swap3A_1028 = arith.constant 112 : index
      %swap3A_1029 = tpu.vector_load %arg5[%swap3A_1028] {strides = array<i32>} : memref<512xf32, #tpu.memory_space<vmem>>, vector<16xf32>,
      %swap3A_1030 = vector.shape_cast %swap3A_1029 : vector<16xf32> to vector<16xf32>
      %swap3A_1031 = vector.shape_cast %div3A_1027 : vector<16xf32> to vector<16xf32>
      tpu.vector_store %arg5[%swap3A_1028], %swap3A_1031 {strides = array<i32>} : memref<512xf32, #tpu.memory_space<vmem>>, vector<16xf32>,
      %div3A_1032 = arith.divf %select_n3A_964, %add3A_1021 : vector<16xf32>
      %swap3A_1033 = arith.constant 176 : index
      %swap3A_1034 = tpu.vector_load %arg5[%swap3A_1033] {strides = array<i32>} : memref<512xf32, #tpu.memory_space<vmem>>, vector<16xf32>,
      %swap3A_1035 = vector.shape_cast %swap3A_1034 : vector<16xf32> to vector<16xf32>
      %swap3A_1036 = vector.shape_cast %div3A_1032 : vector<16xf32> to vector<16xf32>
      tpu.vector_store %arg5[%swap3A_1033], %swap3A_1036 {strides = array<i32>} : memref<512xf32, #tpu.memory_space<vmem>>, vector<16xf32>,
      %div3A_1037 = arith.divf %select_n3A_974, %add3A_1021 : vector<16xf32>
      %swap3A_1038 = arith.constant 240 : index
      %swap3A_1039 = tpu.vector_load %arg5[%swap3A_1038] {strides = array<i32>} : memref<512xf32, #tpu.memory_space<vmem>>, vector<16xf32>,
      %swap3A_1040 = vector.shape_cast %swap3A_1039 : vector<16xf32> to vector<16xf32>
      %swap3A_1041 = vector.shape_cast %div3A_1037 : vector<16xf32> to vector<16xf32>
      tpu.vector_store %arg5[%swap3A_1038], %swap3A_1041 {strides = array<i32>} : memref<512xf32, #tpu.memory_space<vmem>>, vector<16xf32>,
      %div3A_1042 = arith.divf %select_n3A_984, %add3A_1021 : vector<16xf32>
      %swap3A_1043 = arith.constant 304 : index
      %swap3A_1044 = tpu.vector_load %arg5[%swap3A_1043] {strides = array<i32>} : memref<512xf32, #tpu.memory_space<vmem>>, vector<16xf32>,
      %swap3A_1045 = vector.shape_cast %swap3A_1044 : vector<16xf32> to vector<16xf32>
      %swap3A_1046 = vector.shape_cast %div3A_1042 : vector<16xf32> to vector<16xf32>
      tpu.vector_store %arg5[%swap3A_1043], %swap3A_1046 {strides = array<i32>} : memref<512xf32, #tpu.memory_space<vmem>>, vector<16xf32>,
      %div3A_1047 = arith.divf %select_n3A_994, %add3A_1021 : vector<16xf32>
      %swap3A_1048 = arith.constant 368 : index
      %swap3A_1049 = tpu.vector_load %arg5[%swap3A_1048] {strides = array<i32>} : memref<512xf32, #tpu.memory_space<vmem>>, vector<16xf32>,
      %swap3A_1050 = vector.shape_cast %swap3A_1049 : vector<16xf32> to vector<16xf32>
      %swap3A_1051 = vector.shape_cast %div3A_1047 : vector<16xf32> to vector<16xf32>
      tpu.vector_store %arg5[%swap3A_1048], %swap3A_1051 {strides = array<i32>} : memref<512xf32, #tpu.memory_space<vmem>>, vector<16xf32>,
      %div3A_1052 = arith.divf %select_n3A_1004, %add3A_1021 : vector<16xf32>
      %swap3A_1053 = arith.constant 432 : index
      %swap3A_1054 = tpu.vector_load %arg5[%swap3A_1053] {strides = array<i32>} : memref<512xf32, #tpu.memory_space<vmem>>, vector<16xf32>,
      %swap3A_1055 = vector.shape_cast %swap3A_1054 : vector<16xf32> to vector<16xf32>
      %swap3A_1056 = vector.shape_cast %div3A_1052 : vector<16xf32> to vector<16xf32>
      tpu.vector_store %arg5[%swap3A_1053], %swap3A_1056 {strides = array<i32>} : memref<512xf32, #tpu.memory_space<vmem>>, vector<16xf32>,
      %div3A_1057 = arith.divf %select_n3A_1014, %add3A_1021 : vector<16xf32>
      %swap3A_1058 = arith.constant 496 : index
      %swap3A_1059 = tpu.vector_load %arg5[%swap3A_1058] {strides = array<i32>} : memref<512xf32, #tpu.memory_space<vmem>>, vector<16xf32>,
      %swap3A_1060 = vector.shape_cast %swap3A_1059 : vector<16xf32> to vector<16xf32>
      %swap3A_1061 = vector.shape_cast %div3A_1057 : vector<16xf32> to vector<16xf32>
      tpu.vector_store %arg5[%swap3A_1058], %swap3A_1061 {strides = array<i32>} : memref<512xf32, #tpu.memory_space<vmem>>, vector<16xf32>,
      "tpu.region"() ({
        %run_scoped3A = tpu.sem_alloc : memref<!tpu.dma_semaphore, #tpu.memory_space<semaphore_mem>>
        tpu.enqueue_dma source(%arg5 : memref<512xf32, #tpu.memory_space<vmem>>) target(%arg3 : memref<512xf32, #tpu.memory_space<hbm>>) target_semaphore(%run_scoped3A : memref<!tpu.dma_semaphore, #tpu.memory_space<semaphore_mem>>)
        tpu.wait_dma2 semaphore(%run_scoped3A : memref<!tpu.dma_semaphore, #tpu.memory_space<semaphore_mem>>) src(%arg5 : memref<512xf32, #tpu.memory_space<vmem>>) dst(%arg3 : memref<512xf32, #tpu.memory_space<hbm>>)
        tpu.yield
      }) : () -> ()
    } else {
    }
    return
  }
}

module attributes {stable_mosaic.version = 14 : i64} {
  func.func @_moe_kernel(%arg0: i32, %arg1: i32, %arg2: memref<64x1024xf32, #tpu.memory_space<vmem>>, %arg3: memref<8x64xf32, #tpu.memory_space<vmem>>, %arg4: memref<1x1024x1024xf32, #tpu.memory_space<vmem>>, %arg5: memref<1x1024x1024xf32, #tpu.memory_space<vmem>>, %arg6: memref<1x1024x1024xf32, #tpu.memory_space<vmem>>, %arg7: memref<64x1024xf32, #tpu.memory_space<vmem>>) attributes {dimension_semantics = [#tpu.dimension_semantics<arbitrary>, #tpu.dimension_semantics<arbitrary>], iteration_bounds = array<i64: 8, 4>, scalar_prefetch = 0 : i64, scratch_operands = 0 : i64, tpu.core_type = #tpu.core_type<tc>, window_params = [{pipeline_mode = #tpu.pipeline_mode<synchronous>, transform_indices = @transform_0, window_bounds = array<i64: 64, 1024>}, {pipeline_mode = #tpu.pipeline_mode<synchronous>, transform_indices = @transform_1, window_bounds = array<i64: 8, 64>}, {transform_indices = @transform_2, window_bounds = array<i64: 1, 1024, 1024>}, {transform_indices = @transform_3, window_bounds = array<i64: 1, 1024, 1024>}, {transform_indices = @transform_4, window_bounds = array<i64: 1, 1024, 1024>}, {pipeline_mode = #tpu.pipeline_mode<synchronous>, transform_indices = @transform_5, window_bounds = array<i64: 64, 1024>}]} {
    %eq3A = arith.constant 0 : i32
    %eq3A_0 = arith.cmpi eq, %arg0, %eq3A : i32
    %eq3A_1 = arith.constant 0 : i32
    %eq3A_2 = arith.cmpi eq, %arg1, %eq3A_1 : i32
    %and3A = arith.andi %eq3A_0, %eq3A_2 : i1
    %convert_element_type3A = arith.extui %and3A : i1 to i32
    %cond3A = arith.constant 0 : i32
    %cond3A_3 = arith.cmpi ne, %convert_element_type3A, %cond3A : i32
    scf.if %cond3A_3 {
      %broadcast_in_dim3A_46 = arith.constant 0.000000e+00 : f32
      %broadcast_in_dim3A_47 = vector.broadcast %broadcast_in_dim3A_46 : f32 to vector<64x1024xf32>
      %swap3A_48 = arith.constant 0 : index
      %swap3A_49 = arith.constant 0 : index
      %swap3A_50 = vector.load %arg7[%swap3A_48, %swap3A_49] : memref<64x1024xf32, #tpu.memory_space<vmem>>, vector<64x1024xf32>
      tpu.vector_store %arg7[%swap3A_48, %swap3A_49], %broadcast_in_dim3A_47 {strides = array<i32>} : memref<64x1024xf32, #tpu.memory_space<vmem>>, vector<64x1024xf32>,
    } else {
    }
    %get3A = arith.constant 0 : index
    %get3A_4 = arith.constant 0 : index
    %get3A_5 = vector.load %arg2[%get3A, %get3A_4] : memref<64x1024xf32, #tpu.memory_space<vmem>>, vector<64x1024xf32>
    %get3A_6 = arith.constant 0 : index
    %get3A_7 = arith.constant 0 : index
    %get3A_8 = arith.constant 0 : index
    %get3A_9 = vector.load %arg4[%get3A_6, %get3A_7, %get3A_8] : memref<1x1024x1024xf32, #tpu.memory_space<vmem>>, vector<1x1024x1024xf32>
    %get3A_10 = vector.shape_cast %get3A_9 : vector<1x1024x1024xf32> to vector<1024x1024xf32>
    %get3A_11 = arith.constant 0 : index
    %get3A_12 = arith.constant 0 : index
    %get3A_13 = arith.constant 0 : index
    %get3A_14 = vector.load %arg5[%get3A_11, %get3A_12, %get3A_13] : memref<1x1024x1024xf32, #tpu.memory_space<vmem>>, vector<1x1024x1024xf32>
    %get3A_15 = vector.shape_cast %get3A_14 : vector<1x1024x1024xf32> to vector<1024x1024xf32>
    %get3A_16 = arith.constant 0 : index
    %get3A_17 = arith.constant 0 : index
    %get3A_18 = arith.constant 0 : index
    %get3A_19 = vector.load %arg6[%get3A_16, %get3A_17, %get3A_18] : memref<1x1024x1024xf32, #tpu.memory_space<vmem>>, vector<1x1024x1024xf32>
    %get3A_20 = vector.shape_cast %get3A_19 : vector<1x1024x1024xf32> to vector<1024x1024xf32>
    %dot_general3A = arith.constant dense<0.000000e+00> : vector<64x1024xf32>
    %dot_general3A_21 = tpu.matmul %get3A_5, %get3A_10, %dot_general3A {dimension_numbers = #tpu.dot_dimension_numbers<[1], [1], [0], [0], [0, 0, 1, 0], [], []>, transpose_lhs_hint = false} : vector<64x1024xf32>, vector<1024x1024xf32>, vector<64x1024xf32> -> vector<64x1024xf32>
    %dot_general3A_22 = arith.constant dense<0.000000e+00> : vector<64x1024xf32>
    %dot_general3A_23 = tpu.matmul %get3A_5, %get3A_15, %dot_general3A_22 {dimension_numbers = #tpu.dot_dimension_numbers<[1], [1], [0], [0], [0, 0, 1, 0], [], []>, transpose_lhs_hint = false} : vector<64x1024xf32>, vector<1024x1024xf32>, vector<64x1024xf32> -> vector<64x1024xf32>
    %iota3A = tpu.iota {dimensions = array<i32: 0>} : vector<8x64xi32>
    %eq3A_24 = vector.broadcast %arg0 : i32 to vector<8x64xi32>
    %eq3A_25 = arith.cmpi eq, %iota3A, %eq3A_24 : vector<8x64xi32>
    %get3A_26 = arith.constant 0 : index
    %get3A_27 = arith.constant 0 : index
    %get3A_28 = vector.load %arg3[%get3A_26, %get3A_27] : memref<8x64xf32, #tpu.memory_space<vmem>>, vector<8x64xf32>
    %jit3A = arith.constant 0.000000e+00 : f32
    %broadcast_in_dim3A = vector.broadcast %jit3A : f32 to vector<8x64xf32>
    %select_n3A = arith.select %eq3A_25, %get3A_28, %broadcast_in_dim3A : vector<8x64xi1>, vector<8x64xf32>
    %reduce_sum3A = arith.constant dense<0.000000e+00> : vector<64xf32>
    %reduce_sum3A_29 = vector.multi_reduction <add>, %select_n3A, %reduce_sum3A [0] : vector<8x64xf32> to vector<64xf32>
    %logistic3A = arith.negf %dot_general3A_21 : vector<64x1024xf32>
    %logistic3A_30 = math.exp %logistic3A : vector<64x1024xf32>
    %logistic3A_31 = arith.constant 1.000000e+00 : f32
    %logistic3A_32 = vector.broadcast %logistic3A_31 : f32 to vector<64x1024xf32>
    %logistic3A_33 = arith.addf %logistic3A_32, %logistic3A_30 : vector<64x1024xf32>
    %logistic3A_34 = arith.divf %logistic3A_32, %logistic3A_33 : vector<64x1024xf32>
    %mul3A = arith.mulf %dot_general3A_21, %logistic3A_34 : vector<64x1024xf32>
    %mul3A_35 = arith.mulf %mul3A, %dot_general3A_23 : vector<64x1024xf32>
    %broadcast_in_dim3A_36 = vector.shape_cast %reduce_sum3A_29 : vector<64xf32> to vector<64x1xf32>
    %mul3A_37 = vector.broadcast %broadcast_in_dim3A_36 : vector<64x1xf32> to vector<64x1024xf32>
    %mul3A_38 = arith.mulf %mul3A_35, %mul3A_37 : vector<64x1024xf32>
    %get3A_39 = arith.constant 0 : index
    %get3A_40 = arith.constant 0 : index
    %get3A_41 = vector.load %arg7[%get3A_39, %get3A_40] : memref<64x1024xf32, #tpu.memory_space<vmem>>, vector<64x1024xf32>
    %dot_general3A_42 = arith.constant dense<0.000000e+00> : vector<64x1024xf32>
    %dot_general3A_43 = tpu.matmul %mul3A_38, %get3A_20, %dot_general3A_42 {dimension_numbers = #tpu.dot_dimension_numbers<[1], [1], [0], [0], [0, 0, 1, 0], [], []>, transpose_lhs_hint = false} : vector<64x1024xf32>, vector<1024x1024xf32>, vector<64x1024xf32> -> vector<64x1024xf32>
    %add3A = arith.addf %get3A_41, %dot_general3A_43 : vector<64x1024xf32>
    %swap3A = arith.constant 0 : index
    %swap3A_44 = arith.constant 0 : index
    %swap3A_45 = vector.load %arg7[%swap3A, %swap3A_44] : memref<64x1024xf32, #tpu.memory_space<vmem>>, vector<64x1024xf32>
    tpu.vector_store %arg7[%swap3A, %swap3A_44], %add3A {strides = array<i32>} : memref<64x1024xf32, #tpu.memory_space<vmem>>, vector<64x1024xf32>,
    return
  }
  func.func @transform_0(%arg0: i32, %arg1: i32) -> (i32, i32) {
    %c0_i32 = arith.constant 0 : i32
    %c0_i32_0 = arith.constant 0 : i32
    %c0_i32_1 = arith.constant 0 : i32
    return %c0_i32, %c0_i32_0 : i32, i32
  }
  func.func @transform_1(%arg0: i32, %arg1: i32) -> (i32, i32) {
    %c0_i32 = arith.constant 0 : i32
    %c0_i32_0 = arith.constant 0 : i32
    %c0_i32_1 = arith.constant 0 : i32
    return %c0_i32, %c0_i32_0 : i32, i32
  }
  func.func @transform_2(%arg0: i32, %arg1: i32) -> (i32, i32, i32) {
    %c0_i32 = arith.constant 0 : i32
    %c0_i32_0 = arith.constant 0 : i32
    return %arg0, %arg1, %c0_i32 : i32, i32, i32
  }
  func.func @transform_3(%arg0: i32, %arg1: i32) -> (i32, i32, i32) {
    %c0_i32 = arith.constant 0 : i32
    %c0_i32_0 = arith.constant 0 : i32
    return %arg0, %arg1, %c0_i32 : i32, i32, i32
  }
  func.func @transform_4(%arg0: i32, %arg1: i32) -> (i32, i32, i32) {
    %c0_i32 = arith.constant 0 : i32
    %c0_i32_0 = arith.constant 0 : i32
    return %arg0, %c0_i32, %arg1 : i32, i32, i32
  }
  func.func @transform_5(%arg0: i32, %arg1: i32) -> (i32, i32) {
    %c0_i32 = arith.constant 0 : i32
    %c0_i32_0 = arith.constant 0 : i32
    %c0_i32_1 = arith.constant 0 : i32
    return %c0_i32, %c0_i32_0 : i32, i32
  }
}

module attributes {stable_mosaic.version = 14 : i64} {
  func.func @_logits_kernel(%arg0: memref<64x1024xf32, #tpu.memory_space<vmem>>, %arg1: memref<1024x8xf32, #tpu.memory_space<vmem>>, %arg2: memref<8x64xf32, #tpu.memory_space<vmem>>) attributes {dimension_semantics = [], scalar_prefetch = 0 : i64, scratch_operands = 0 : i64, tpu.core_type = #tpu.core_type<tc>} {
    %get3A = arith.constant 0 : index
    %get3A_0 = arith.constant 0 : index
    %get3A_1 = vector.load %arg1[%get3A, %get3A_0] : memref<1024x8xf32, #tpu.memory_space<vmem>>, vector<1024x8xf32>
    %get3A_2 = arith.constant 0 : index
    %get3A_3 = arith.constant 0 : index
    %get3A_4 = vector.load %arg0[%get3A_2, %get3A_3] : memref<64x1024xf32, #tpu.memory_space<vmem>>, vector<64x1024xf32>
    %dot_general3A = arith.constant dense<0.000000e+00> : vector<8x64xf32>
    %dot_general3A_5 = tpu.matmul %get3A_1, %get3A_4, %dot_general3A {dimension_numbers = #tpu.dot_dimension_numbers<[0], [1], [1], [0], [0, 1, 1, 0], [], []>, transpose_lhs_hint = false} : vector<1024x8xf32>, vector<64x1024xf32>, vector<8x64xf32> -> vector<8x64xf32>
    %swap3A = arith.constant 0 : index
    %swap3A_6 = arith.constant 0 : index
    %swap3A_7 = vector.load %arg2[%swap3A, %swap3A_6] : memref<8x64xf32, #tpu.memory_space<vmem>>, vector<8x64xf32>
    tpu.vector_store %arg2[%swap3A, %swap3A_6], %dot_general3A_5 {strides = array<i32>} : memref<8x64xf32, #tpu.memory_space<vmem>>, vector<8x64xf32>,
    return
  }
}

</mosaic_0001>

<sc_bundles>
// kernel: kernel.5.cloned.1.call-start
scs
__scs_entry_jumppad:
0x0: {  	(pc) =	sbr.rel $0x88, $3  }
0x1: {  	(tag) =	ssettag $0x0;
	lr =	simm.s32 $0x1  }
0x2: {  	[smem:$0x3F9C] =	sst lr;
	_ =	strace $0xD0000000  }
0x3: {  	_ = 	snop  }
0x4: {  	_ = 	snop  }
0x5: {  	_ = 	snop  }
0x6: {  	_ = 	snop  }
0x7: {  	_ = 	snop  }
__scs_overlays_trampoline_lowered:
0x8: {  	[smem:$0x3FAB] =	sst s0  }
0x9: {  	[smem:$0x3FAC] =	sst s1  }
0xa: {  	[smem:$0x3FAD] =	sst s2  }
0xb: {  	[smem:$0x3FAE] =	sst s3  }
0xc: {  	[smem:$0x3FAF] =	sst s4  }
0xd: {  	[smem:$0x3FB0] =	sst s5  }
0xe: {  	[smem:$0x3FB1] =	sst s6  }
0xf: {  	[smem:$0x3FB2] =	sst s7  }
0x10: {  	[smem:$0x3FB3] =	sst s8  }
0x11: {  	[smem:$0x3FB4] =	sst s9;
	s0 =	simm.s32 @!p0 $0x0  }
0x12: {  	s1 =	sld [smem:$0x3F9A];
	s0 =	simm.s32 @p0 $0x1  }
0x13: {  	[smem:$0x3FB5] =	sst s0;
	s0 =	simm.s32 @!p1 $0x0  }
0x14: {  	s2 =	sld [smem:$0x3F99];
	s0 =	simm.s32 @p1 $0x1  }
0x15: {  	[smem:$0x3FB6] =	sst s0;
	s0 =	simm.s32 @!p2 $0x0  }
0x16: {  	s3 =	sld [smem:$0x3FDB];
	s0 =	simm.s32 @p2 $0x1  }
0x17: {  	s4 =	simm.s32 $0x1BF5;
	[smem:$0x3FB8] =	sst s0  }
0x18: {  	s0 =	sld [smem:$0x3F9B];
	_ =	swait.ge [sflag:s4], $0x0  }
0x19: {  	s7 =	sld [smem:$0x3F9C]  }
0x1a: {  	s8 =	sadd.s32 $0xFFFFE003, lr  }
0x1b: {  	s9 =	sadd.s32 $0xFFFFFEF7, lr;
	s5 =	simm.s32 $0xFFFFFFFF;
	p2 =	slt.u32 s8, $0xFFFFF086  }
0x1c: {  	p1 =	slt.u32 s9, $0xF7A;
	s5 =	simm.s32 @!p2 $0x0  }
0x1d: {  	s5 =	simm.s32 @p1 $0x1;
	p0 =	seq.s32 s7, s2  }
0x1e: {  	s7 =	smul.u32 @!p0 $0xF7A, s2;
	p2 =	seq.s32 @!p0 s5, $0x0  }
0x1f: {  	s9 =	smul.u32 $0xF7A, s1;
	s8 =	simm.s32 @!p0 $0x1BF5;
	p2 =	por !p2, p0  }
0x20: {  	[sflag:s8] =	ssyncset.s32 @!p0 $0xFFFFF086;
	s6 =	sadd.s32 @!p0 s3, s7;
	s7 =	simm.s32 @!p0 $0x108  }
0x21: {  	s3 =	sadd.s32 s3, s9;
	s6 =	sadd.s32 @!p0 $0x88, s6;
	s7 =	simm.s32 @p2 $0x1082  }
0x22: {  	[simem:s7], [sflag:s8] =	dma.local @!p0 [hbm:s6], $0xF7A  }
0x23: {  	s9 =	sor.u32 $0xD0000000, s2;
	s6 =	simm.s32 $0x108;
	_ =	swait.ge @!p0 [sflag:s8], $0x0  }
0x24: {  	s3 =	sadd.s32 $0x88, s3;
	s6 =	simm.s32 @!p1 $0x1082;
	[sflag:s4] =	ssyncset.s32 $0xFFFFF086  }
0x25: {  	[simem:s6], [sflag:s4] =	dma.local [hbm:s3], $0xF7A  }
0x26: {  	[smem:$0x3F9C] =	sst s1;
	(tag) =	ssettag s2;
	_ =	strace s9  }
0x27: {  	s1 =	sld [smem:$0x3FAC]  }
0x28: {  	s2 =	sld [smem:$0x3FAD]  }
0x29: {  	s4 =	sld [smem:$0x3FAF]  }
0x2a: {  	p0 =	seq.s32 s5, $0x0;
	s5 =	sld [smem:$0x3FB0]  }
0x2b: {  	s6 =	sld [smem:$0x3FB1]  }
0x2c: {  	s7 =	sld [smem:$0x3FB2]  }
0x2d: {  	s3 =	simm.s32 $0x108;
	s8 =	sld [smem:$0x3FB3]  }
0x2e: {  	s3 =	simm.s32 @!p0 $0x1082;
	s9 =	sld [smem:$0x3FB4]  }
0x2f: {  	lr =	sadd.s32 s0, s3;
	s0 =	sld [smem:$0x3FAB]  }
0x30: {  	s3 =	sld [smem:$0x3FAE]  }
0x31: {  	[smem:$0x3FB7] =	sst s10  }
0x32: {  	s10 =	sld [smem:$0x3FB5];
	_ =	sdelay $0x3  }
0x33: {  	p0 =	seq.s32 s10, $0x1;
	s10 =	sld [smem:$0x3FB7];
	_ =	sdelay $0x3  }
0x34: {  	[smem:$0x3FB7] =	sst s10  }
0x35: {  	s10 =	sld [smem:$0x3FB6];
	_ =	sdelay $0x3  }
0x36: {  	p1 =	seq.s32 s10, $0x1;
	s10 =	sld [smem:$0x3FB7];
	_ =	sdelay $0x3  }
0x37: {  	[smem:$0x3FB7] =	sst s10  }
0x38: {  	s10 =	sld [smem:$0x3FB8]  }
0x39: {  	_ = 	snop;
	(pc) =	sbr.ind lr, $3  }
0x3a: {  	_ = 	snop  }
0x3b: {  	_ = 	snop  }
0x3c: {  	p2 =	seq.s32 s10, $0x1;
	s10 =	sld [smem:$0x3FB7]  }
0x3d: {  	_ =	shalt  }
0x3e: {  	_ =	shalt  }
0x3f: {  	_ =	shalt  }
0x40: {  	_ =	shalt  }
0x41: {  	_ =	shalt  }
0x42: {  	_ =	shalt  }
0x43: {  	_ =	shalt  }
0x44: {  	_ =	shalt  }
0x45: {  	_ =	shalt  }
0x46: {  	_ =	shalt  }
0x47: {  	_ =	shalt  }
0x48: {  	_ =	shalt  }
0x49: {  	_ =	shalt  }
0x4a: {  	_ =	shalt  }
0x4b: {  	_ =	shalt  }
0x4c: {  	_ =	shalt  }
0x4d: {  	_ =	shalt  }
0x4e: {  	_ =	shalt  }
0x4f: {  	_ =	shalt  }
0x50: {  	_ =	shalt  }
0x51: {  	_ =	shalt  }
0x52: {  	_ =	shalt  }
0x53: {  	_ =	shalt  }
0x54: {  	_ =	shalt  }
0x55: {  	_ =	shalt  }
0x56: {  	_ =	shalt  }
0x57: {  	_ =	shalt  }
0x58: {  	_ =	shalt  }
0x59: {  	_ =	shalt  }
0x5a: {  	_ =	shalt  }
0x5b: {  	_ =	shalt  }
0x5c: {  	_ =	shalt  }
0x5d: {  	_ =	shalt  }
0x5e: {  	_ =	shalt  }
0x5f: {  	_ =	shalt  }
0x60: {  	_ =	shalt  }
0x61: {  	_ =	shalt  }
0x62: {  	_ =	shalt  }
0x63: {  	_ =	shalt  }
0x64: {  	_ =	shalt  }
0x65: {  	_ =	shalt  }
0x66: {  	_ =	shalt  }
0x67: {  	_ =	shalt  }
0x68: {  	_ =	shalt  }
0x69: {  	_ =	shalt  }
0x6a: {  	_ =	shalt  }
0x6b: {  	_ =	shalt  }
0x6c: {  	_ =	shalt  }
0x6d: {  	_ =	shalt  }
0x6e: {  	_ =	shalt  }
0x6f: {  	_ =	shalt  }
0x70: {  	_ =	shalt  }
0x71: {  	_ =	shalt  }
0x72: {  	_ =	shalt  }
0x73: {  	_ =	shalt  }
0x74: {  	_ =	shalt  }
0x75: {  	_ =	shalt  }
0x76: {  	_ =	shalt  }
0x77: {  	_ =	shalt  }
0x78: {  	_ =	shalt  }
0x79: {  	_ =	shalt  }
0x7a: {  	_ =	shalt  }
0x7b: {  	_ =	shalt  }
0x7c: {  	_ =	shalt  }
0x7d: {  	_ =	shalt  }
0x7e: {  	_ =	shalt  }
0x7f: {  	_ =	shalt  }
0x80: {  	_ =	shalt  }
0x81: {  	_ =	shalt  }
0x82: {  	_ =	shalt  }
0x83: {  	_ =	shalt  }
0x84: {  	_ =	shalt  }
0x85: {  	_ =	shalt  }
0x86: {  	_ =	shalt  }
0x87: {  	_ =	shalt  }
.Lfunc_end0:
.L_simem_size_0:
called_computation_lowered:
.L_overlay_start_0:
0x88: {  	s2 =	sld [smem:$0x3FD9]  }
0x89: {  	s3 =	sld [smem:$0x3FFE];
	_ =	sdelay $0x1  }
0x8a: {  	s1 =	srdreg.scid  }
0x8b: {  	s0 =	sand.u32 $0x1, s1  }
0x8c: {  	s17 =	sshll.u32 s0, $0xA;
	s2 =	sadd.s32 s3, s2  }
0x8d: {  	s2 =	sadd.s32 s2, s17  }
0x8e: {  	[smem:$0x3FC3] =	sst s2  }
0x8f: {  	_ = 	snop  }
0x90: {  	s2 =	sld [smem:$0x3FD0];
	(tm) =	ssettm $0x1  }
0x91: {  	s18 =	sld [smem:$0x3FFB];
	_ =	sdelay $0x3  }
0x92: {  	_ =	strace s18  }
0x93: {  	s3 =	sld [smem:$0x3FFC];
	_ =	sdelay $0x3  }
0x94: {  	_ =	strace s3  }
0x95: {  	s3 =	sld [smem:$0x3FFD];
	_ =	sdelay $0x3  }
0x96: {  	_ =	strace s3  }
0x97: {  	_ =	strace $0x8FFFFFFF  }
0x98: {  	s19 =	sld [smem:$0x3FDB];
	_ =	sdelay $0x1  }
0x99: {  	s4 =	simm.s32 $_scs_section_size  }
0x9a: {  	s5 =	simm.s32 $_size__tile_overlayer_lowered;
	s6 =	simm.s32 $_tile_overlayer_lowered  }
0x9b: {  	s22 =	simm.s32 $0x1BFF;
	s21 =	sshll.u32 s6, $0x1;
	s3 =	sadd.s32 s4, s19  }
0x9c: {  	s7 =	simm.s32 $0x0;
	s20 =	sshll.u32 s5, $0x1;
	s5 =	sadd.s32 s21, s3  }
0x9d: {  	[timem:s7], [sflag:s22] =	dma.local [hbm:s5], s20  }
0x9e: {  	_ =	swait.ge [sflag:s22], s20  }
0x9f: {  	s4 =	ssub.s32 $0x0, s20;
	[sflag:s22] =	ssyncset.done $0x0  }
0xa0: {  	[sflag:s22] =	ssyncadd.s32 s4;
	_ =	sdelay $0x1  }
0xa1: {  	s23 =	simm.s32 $0x1B8B  }
0xa2: {  	_ =	swait.ge [sflag:s23], $0x1  }
0xa3: {  	[sflag:s23] =	ssyncset.done $0x0  }
0xa4: {  	s25 =	simm.s32 $0x1B8E;
	s24 =	sld [smem:$0x3FFE];
	[sflag:s23] =	ssyncadd.s32 $0xFFFFFFFF  }
0xa5: {  	s26 =	simm.s32 $execute0_lowered;
	[smem:$0x3FD2] =	sst s25  }
0xa6: {  	s5 =	sshll.u32 s26, $0x1;
	_ =	strace $0x80000046;
	[dreg:$0x1] =	wrdreg $0xFFFFFFFF  }
0xa7: {  	s28 =	simm.s32 $_size_execute0_lowered;
	s3 =	sadd.s32 s3, s5;
	[dreg:$0x0] =	wrdreg $0x0  }
0xa8: {  	s5 =	sshll.u32 s28, $0x1;
	[dreg:$0x2] =	wrdreg s3  }
0xa9: {  	[dreg:$0x3] =	wrdreg s5  }
0xaa: {  	[dreg:$0x4] =	wrdreg $0xC0  }
0xab: {  	_ =	task [dreg:s7], $0x5FFFF  }
0xac: {  	[dreg:$0x1] =	wrdreg $0xFFFFFFFF  }
0xad: {  	[dreg:$0x0] =	wrdreg $0x60  }
0xae: {  	[dreg:$0x2] =	wrdreg s2  }
0xaf: {  	[dreg:$0x3] =	wrdreg s24  }
0xb0: {  	[dreg:$0x4] =	wrdreg $0x9  }
0xb1: {  	_ =	task.clear_ibuf [dreg:s7], $0x5FFFF;
	_ =	strace $0x90000046  }
0xb2: {  	s29 =	simm.s32 $0x9;
	_ =	strace $0x80000048  }
0xb3: {  	_ =	swait.ge [sflag:s29], $0x1  }
0xb4: {  	[sflag:s29] =	ssyncadd.s32 $0xFFFFFFFF  }
0xb5: {  	_ =	strace $0x90000048  }
0xb6: {  	_ =	sfence  }
0xb7: {  	s30 =	sld [smem:$0x0];
	_ =	sdelay $0x2  }
0xb8: {  	s31 =	sshll.u32 s1, $0xD;
	s1 =	sshrl.u32 s1, $0x2  }
0xb9: {  	s3 =	sand.u32 $0x4000, s31;
	s1 =	sadd.s32 s1, s30  }
0xba: {  	s0 =	sor.u32 s3, s0;
	s1 =	sshll.u32 s1, $0x11  }
0xbb: {  	s0 =	sor.u32 s1, s0  }
0xbc: {  	s0 =	sadd.s32 $0x8F2B, s0  }
0xbd: {  	[sflag:s0] =	ssyncadd.remote.s32 $0x1  }
0xbe: {  	_ =	sfence.sel $0xFFFF  }
0xbf: {  	[dreg:$0x0] =	wrdreg $0xFFFFFFFF;
	(pc) =	sbr.abs _section_cstart, $3  }
0xc0: {  	[dreg:$0x1] =	wrdreg $0xFFFFFFFF  }
0xc1: {  	_ =	task.clear_ibuf [dreg:s7], $0x2FFFF;
	_ =	strace $0x9FFFFFFF  }
0xc2: {  	(tm) =	ssettm $0x7FFFFFFF  }
0xc3: {  	_ =	shalt  }
tec
execute0_lowered:
.L_overlay_start_1:
0x0: {  	(tag) =	ssettag $0x1  }
0x1: {  	s0 =	srdreg.scid  }
0x2: {  	s4 =	sand.u32 $0x1, s0;
	s0 =	stileid.u32  }
0x3: {  	s5 =	sshll.u32 s0, $0x1;
	s6 =	ssub.s32 $0x0, s4  }
0x4: {  	p0 =	sne.s32 s5, s6  }
.Ltmp0:
0x5: {  	_ = 	snop;
	(pc) =	sbr.rel @p0 .LBB2_3-.Ltmp0, $4  }
0x6: {  	_ = 	snop  }
0x7: {  	s2 =	rddreg [dreg:$0x0]  }
0x8: {  	s3 =	rddreg [dreg:$0x1]  }
0x9: {  	s1 =	rddreg [dreg:$0x2];
	_ =	strace $0x80000047  }
0xa: {  	s4 =	ssub.s32 $0x2, s4  }
0xb: {  	s5 =	sshrl.u32 s4, $0x1  }
0xc: {  	s3 =	sadd.s32 $0x600, s3;
	s6 =	simm.s32 $0x1;
	s4 =	ssub.s32 s4, s5  }
0xd: {  	v0 =	vimm.s32 $0x8;
	s7 =	simm.s32 $0x200;
	s5 =	simm.s32 $0x0;
	s4 =	smax.u32 s4, $0x1  }
.LBB2_2:
0xe: {  	[tilespmem:s5], [sflag:$0x1] =	stream.linear.gather [hbm4b:s2+s5], $0x200, $0x38;
	[tilespmem:$0x400] =	vst v63  }
0xf: {  	_ =	swait.ge [sflag:s6], $0x200  }
0x10: {  	[sflag:s6] =	ssyncset.done $0x0  }
0x11: {  	[sflag:s6] =	ssyncadd.s32 $0xFFFFFE00  }
0x12: {  	v1 =	vld [tilespmem:$0x0]  }
0x13: {  	v2 =	vld [tilespmem:$0x40]  }
0x14: {  	v3 =	vld [tilespmem:$0x80]  }
0x15: {  	v4 =	vld [tilespmem:$0xC0]  }
0x16: {  	v5 =	vld [tilespmem:$0x100]  }
0x17: {  	v6 =	vld [tilespmem:$0x140]  }
0x18: {  	v7 =	vld [tilespmem:$0x180]  }
0x19: {  	v9 =	vld [tilespmem:$0x1C0]  }
0x1a: {  	v54 =	vld [tilespmem:$0x10];
	v8 =	vmax.f32 v1, v2  }
0x1b: {  	v55 =	vld [tilespmem:$0x50];
	v8 =	vmax.f32 v8, v3  }
0x1c: {  	v56 =	vld [tilespmem:$0x90];
	v8 =	vmax.f32 v8, v4  }
0x1d: {  	v8 =	vmax.f32 v8, v5  }
0x1e: {  	v8 =	vmax.f32 v8, v6  }
0x1f: {  	v8 =	vmax.f32 v8, v7  }
0x20: {  	v29 =	vmax.f32 v54, v55;
	v8 =	vmax.f32 v8, v9  }
0x21: {  	v30 =	vmax.f32 v29, v56;
	vm0 =	veq.f32 v9, v8;
	vm8 =	veq.f32 v7, v8  }
0x22: {  	vm9 =	veq.f32 v6, v8;
	vm10 =	veq.f32 v5, v8;
	vm11 =	veq.f32 v4, v8  }
0x23: {  	vm12 =	veq.f32 v3, v8;
	vm1 =	vne.f32 v1, v8;
	vm7 =	veq.f32 v1, v8  }
0x24: {  	v10 =	vsel vm0, $0x7, v0;
	v11 =	vsel vm7, $0xFF800000, v1;
	v1 =	vsub.f32 v1, v8  }
0x25: {  	vm13 =	veq.f32 v2, v8;
	v53 =	vsub.f32 v7, v8;
	v10 =	vsel vm8, $0x6, v10  }
0x26: {  	vm6 =	vmand vm1, vm13;
	v10 =	vsel vm9, $0x5, v10;
	v1 =	vmul.f32 $1.442695020e+00, v1  }
0x27: {  	v12 =	vsel vm6, $0xFF800000, v2;
	v2 =	vsub.f32 v2, v8;
	v10 =	vsel vm10, $0x4, v10  }
0x28: {  	v58 =	vsub.f32 v9, v8;
	v10 =	vsel vm11, $0x3, v10;
	(erf) = vpow2.f32 v1  }
0x29: {  	v1 =	vmul.f32 $1.442695020e+00, v2;
	v2 =	vsub.f32 v4, v8;
	v10 =	vsel vm12, $0x2, v10  }
0x2a: {  	v62 =	vmul.f32 $1.442695020e+00, v58;
	v14 =	vmax.f32 v11, v12;
	v10 =	vsel vm13, $0x1, v10  }
0x2b: {  	(erf) = vpow2.f32 v1;
	v1 =	vmul.f32 $1.442695020e+00, v2;
	v10 =	vsel vm7, $0x0, v10  }
0x2c: {  	v57 =	vld [tilespmem:$0xD0];
	v2 =	vsub.f32 v5, v8;
	vm5 =	veq.s32 v10, $0x2;
	vm4 =	veq.s32 v10, $0x3  }
0x2d: {  	v59 =	vld [tilespmem:$0x110];
	vm3 =	veq.s32 v10, $0x4;
	vm2 =	veq.s32 v10, $0x5;
	vm1 =	veq.s32 v10, $0x6  }
0x2e: {  	v60 =	vld [tilespmem:$0x150];
	vm0 =	veq.s32 v10, $0x7;
	v13 =	vsel vm5, $0xFF800000, v3;
	v15 =	vsel vm4, $0xFF800000, v4  }
0x2f: {  	v16 =	vsel vm3, $0xFF800000, v5;
	v3 =	vsub.f32 v3, v8;
	v14 =	vmax.f32 v14, v13  }
0x30: {  	v63 =	vld [tilespmem:$0x190];
	v17 =	vsel vm2, $0xFF800000, v6;
	v18 =	vsel vm1, $0xFF800000, v7;
	v14 =	vmax.f32 v14, v15  }
0x31: {  	v5 =	vmax.f32 v30, v57;
	v3 =	vmul.f32 $1.442695020e+00, v3;
	v14 =	vmax.f32 v14, v16  }
0x32: {  	v51 =	vsel vm0, $0xFF800000, v9;
	v32 =	vmax.f32 v5, v59;
	v50 =	vmax.f32 v14, v17  }
0x33: {  	v33 =	vmax.f32 v32, v60;
	(erf) = vpow2.f32 v3;
	v10 =	vmax.f32 v50, v18  }
0x34: {  	(erf) = vpow2.f32 v1;
	v1 =	vmul.f32 $1.442695020e+00, v2;
	v10 =	vmax.f32 v10, v51  }
0x35: {  	v2 =	vsub.f32 v6, v8;
	v6 =	vmax.f32 v33, v63;
	vm8 =	veq.f32 v51, v10  }
0x36: {  	vm14 =	veq.f32 v18, v10;
	vm15 =	veq.f32 v17, v10;
	vm12 =	veq.f32 v16, v10;
	v17 =	vld [tilespmem:$0x1D0]  }
0x37: {  	vm13 =	veq.f32 v15, v10;
	(erf) = vpow2.f32 v1;
	v1 =	vmul.f32 $1.442695020e+00, v2  }
0x38: {  	vm9 =	vne.f32 v11, v10;
	vm10 =	veq.f32 v11, v10;
	v14 =	vsel vm8, $0x7, v0  }
0x39: {  	v2 =	vmul.f32 $1.442695020e+00, v53;
	vm7 =	vmor vm7, vm10;
	v14 =	vsel vm14, $0x6, v14  }
0x3a: {  	vm14 =	veq.f32 v13, v10;
	(erf) = vpow2.f32 v1;
	v52 =	vsel vm15, $0x5, v14  }
0x3b: {  	vm15 =	veq.f32 v12, v10;
	v4 =	vsel vm12, $0x4, v52;
	v36 =	vmax.f32 v6, v17  }
0x3c: {  	(erf) = vpow2.f32 v2;
	v3 =	vsel vm13, $0x3, v4;
	v12 =	vsub.f32 v54, v36  }
0x3d: {  	v3 =	vsel vm14, $0x2, v3;
	v10 =	vsub.f32 v55, v36;
	v13 =	vsub.f32 v56, v36  }
0x3e: {  	vm8 =	veq.f32 v63, v36;
	v14 =	vsub.f32 v57, v36;
	v9 =	vsub.f32 v59, v36  }
0x3f: {  	v46 =	vsub.f32 v60, v36;
	v49 =	vsub.f32 v63, v36;
	v3 =	vsel vm15, $0x1, v3  }
0x40: {  	v11 =	vsel vm10, $0x0, v3;
	v12 =	vmul.f32 $1.442695020e+00, v12;
	v10 =	vmul.f32 $1.442695020e+00, v10  }
0x41: {  	vm10 =	vmand vm9, vm15;
	v44 =	vmul.f32 $1.442695020e+00, v13;
	v45 =	vmul.f32 $1.442695020e+00, v14  }
0x42: {  	vm9 =	veq.f32 v60, v36;
	v9 =	vmul.f32 $1.442695020e+00, v9;
	v48 =	vmul.f32 $1.442695020e+00, v46  }
0x43: {  	v50 =	vmul.f32 $1.442695020e+00, v49;
	vm6 =	vmor vm6, vm10;
	vm11 =	veq.s32 v11, $0x2  }
0x44: {  	vm12 =	veq.s32 v11, $0x3;
	vm13 =	veq.s32 v11, $0x4;
	vm14 =	veq.s32 v11, $0x5  }
0x45: {  	vm15 =	veq.s32 v11, $0x6;
	vm10 =	veq.f32 v59, v36;
	vm5 =	vmor vm5, vm11  }
0x46: {  	vm4 =	vmor vm4, vm12;
	vm3 =	vmor vm3, vm13;
	vm2 =	vmor vm2, vm14  }
0x47: {  	v3 =	vpop (erf);
	vm1 =	vmor vm1, vm15;
	vm11 =	veq.f32 v57, v36;
	vm12 =	veq.f32 v56, v36  }
0x48: {  	vm13 =	veq.f32 v55, v36;
	vm14 =	vne.f32 v54, v36;
	v1 =	vnsel vm7, $0x0, v3;
	v2 =	vpop (erf)  }
0x49: {  	v51 =	vld [tilespmem:$0x20];
	vm7 =	veq.s32 v11, $0x7;
	v3 =	vnsel vm6, $0x0, v2;
	v2 =	vpop (erf);
	(erf) = vpow2.f32 v62  }
0x4a: {  	v53 =	vld [tilespmem:$0x60];
	vm6 =	veq.f32 v17, v36;
	vm0 =	vmor vm0, vm7;
	v35 =	vadd.f32 v3, v1  }
0x4b: {  	vm7 =	veq.f32 v54, v36;
	v4 =	vnsel vm5, $0x0, v2;
	v37 =	vsel vm6, $0x7, v0  }
0x4c: {  	v61 =	vpop (erf);
	vm6 =	vmand vm14, vm13;
	v11 =	vsel vm8, $0x6, v37;
	v8 =	vadd.f32 v4, v35  }
0x4d: {  	v40 =	vsel vm7, $0xFF800000, v54;
	v54 =	vld [tilespmem:$0xA0];
	v2 =	vnsel vm4, $0x0, v61;
	v11 =	vsel vm9, $0x5, v11  }
0x4e: {  	v31 =	vpop (erf);
	v21 =	vsel vm6, $0xFF800000, v55;
	v11 =	vsel vm10, $0x4, v11;
	v8 =	vadd.f32 v8, v2  }
0x4f: {  	v37 =	vmax.f32 v51, v53;
	v5 =	vnsel vm3, $0x0, v31;
	v34 =	vpop (erf);
	v11 =	vsel vm11, $0x3, v11  }
0x50: {  	v23 =	vmax.f32 v40, v21;
	v19 =	vpop (erf);
	v11 =	vsel vm12, $0x2, v11;
	v20 =	vadd.f32 v8, v5  }
0x51: {  	v7 =	vnsel vm2, $0x0, v34;
	v6 =	vnsel vm1, $0x0, v19;
	v11 =	vsel vm13, $0x1, v11  }
0x52: {  	v14 =	vmax.f32 v37, v54;
	v11 =	vsel vm7, $0x0, v11;
	v39 =	vadd.f32 v20, v7  }
0x53: {  	v38 =	vpop (erf);
	vm5 =	veq.s32 v11, $0x2;
	vm4 =	veq.s32 v11, $0x3;
	vm3 =	veq.s32 v11, $0x4  }
0x54: {  	vm2 =	veq.s32 v11, $0x5;
	vm1 =	veq.s32 v11, $0x6;
	v8 =	vnsel vm0, $0x0, v38  }
0x55: {  	v22 =	vsel vm5, $0xFF800000, v56;
	v24 =	vsel vm4, $0xFF800000, v57;
	v25 =	vsel vm3, $0xFF800000, v59;
	v57 =	vld [tilespmem:$0xE0]  }
0x56: {  	vm0 =	veq.s32 v11, $0x7;
	v59 =	vld [tilespmem:$0x120];
	v19 =	vadd.f32 v39, v6;
	v23 =	vmax.f32 v23, v22  }
0x57: {  	v42 =	vsel vm0, $0xFF800000, v17;
	v17 =	vsub.f32 v17, v36;
	v23 =	vmax.f32 v23, v24  }
0x58: {  	v61 =	vld [tilespmem:$0x160];
	v26 =	vsel vm2, $0xFF800000, v60;
	v23 =	vmax.f32 v23, v25;
	v19 =	vadd.f32 v19, v8  }
0x59: {  	v27 =	vsel vm1, $0xFF800000, v63;
	v17 =	vmul.f32 $1.442695020e+00, v17;
	v41 =	vmax.f32 v23, v26  }
0x5a: {  	v63 =	vld [tilespmem:$0x1A0];
	v11 =	vmax.f32 v41, v27;
	(erf) = vrcp.f32 v19;
	v39 =	vmax.f32 v14, v57  }
0x5b: {  	v11 =	vmax.f32 v11, v42;
	(erf) = vpow2.f32 v12;
	v16 =	vmax.f32 v39, v59  }
0x5c: {  	vm15 =	veq.f32 v42, v11;
	vm12 =	veq.f32 v27, v11;
	vm13 =	veq.f32 v26, v11  }
0x5d: {  	vm14 =	veq.f32 v25, v11;
	(erf) = vpow2.f32 v10;
	v16 =	vmax.f32 v16, v61  }
0x5e: {  	v27 =	vld [tilespmem:$0x1E0];
	v43 =	vsel vm15, $0x7, v0;
	vm15 =	veq.f32 v24, v11;
	(erf) = vpow2.f32 v44  }
0x5f: {  	v30 =	vmax.f32 v16, v63;
	v19 =	vsel vm12, $0x6, v43;
	(erf) = vpow2.f32 v45  }
0x60: {  	vm12 =	veq.f32 v22, v11;
	v19 =	vsel vm13, $0x5, v19;
	(erf) = vpow2.f32 v9  }
0x61: {  	vm13 =	veq.f32 v21, v11;
	v19 =	vsel vm14, $0x4, v19;
	(erf) = vpow2.f32 v48  }
0x62: {  	vm14 =	vne.f32 v40, v11;
	v47 =	vsel vm15, $0x3, v19;
	vm15 =	veq.f32 v40, v11  }
0x63: {  	vm8 =	vmand vm14, vm13;
	v41 =	vmax.f32 v30, v27;
	v13 =	vsel vm12, $0x2, v47  }
0x64: {  	vm7 =	vmor vm7, vm15;
	vm6 =	vmor vm6, vm8;
	v19 =	vsub.f32 v51, v41  }
0x65: {  	v21 =	vsub.f32 v53, v41;
	v20 =	vsub.f32 v54, v41;
	v52 =	vsel vm13, $0x1, v13  }
0x66: {  	v22 =	vsub.f32 v27, v41;
	v9 =	vpop (erf);
	(erf) = vpow2.f32 v50;
	v56 =	vsel vm15, $0x0, v52  }
0x67: {  	v55 =	vpop (erf);
	v19 =	vmul.f32 $1.442695020e+00, v19;
	v20 =	vmul.f32 $1.442695020e+00, v20;
	v52 =	vsub.f32 v57, v41  }
0x68: {  	v1 =	vmul.f32 v9, v1;
	v3 =	vmul.f32 v9, v3;
	v11 =	vnsel vm7, $0x0, v55  }
0x69: {  	vm9 =	veq.s32 v56, $0x2;
	vm10 =	veq.s32 v56, $0x3;
	vm11 =	veq.s32 v56, $0x4  }
0x6a: {  	v58 =	vpop (erf);
	vm12 =	veq.s32 v56, $0x5;
	vm13 =	veq.s32 v56, $0x6;
	vm14 =	veq.s32 v56, $0x7  }
0x6b: {  	vm7 =	veq.f32 v59, v41;
	v56 =	vsub.f32 v61, v41;
	v10 =	vnsel vm6, $0x0, v58  }
0x6c: {  	vm5 =	vmor vm5, vm9;
	vm4 =	vmor vm4, vm10;
	vm3 =	vmor vm3, vm11  }
0x6d: {  	vm2 =	vmor vm2, vm12;
	vm1 =	vmor vm1, vm13;
	vm15 =	vmor vm0, vm14  }
0x6e: {  	v60 =	vpop (erf);
	vm6 =	veq.f32 v61, v41;
	vm9 =	veq.f32 v57, v41;
	(erf) = vpow2.f32 v17  }
0x6f: {  	vm10 =	veq.f32 v54, v41;
	vm11 =	veq.f32 v53, v41;
	vm12 =	vne.f32 v51, v41  }
0x70: {  	v58 =	vsub.f32 v63, v41;
	[tilespmem:$0x200] =	vst v1;
	v1 =	vmul.f32 v9, v4;
	v12 =	vnsel vm5, $0x0, v60;
	v62 =	vpop (erf)  }
0x71: {  	v29 =	vadd.f32 v10, v11;
	v13 =	vnsel vm4, $0x0, v62;
	vm4 =	veq.f32 v27, v41  }
0x72: {  	vm5 =	veq.f32 v63, v41;
	v38 =	vpop (erf);
	v23 =	vmul.f32 $1.442695020e+00, v58;
	v43 =	vsel vm4, $0x7, v0  }
0x73: {  	v14 =	vnsel vm3, $0x0, v38;
	v40 =	vpop (erf);
	v42 =	vadd.f32 v12, v29;
	v18 =	vsel vm5, $0x6, v43  }
0x74: {  	v15 =	vnsel vm2, $0x0, v40;
	vm5 =	vmand vm12, vm11;
	v18 =	vsel vm6, $0x5, v18;
	v28 =	vpop (erf)  }
0x75: {  	v18 =	vsel vm7, $0x4, v18;
	v16 =	vnsel vm1, $0x0, v28;
	v28 =	vadd.f32 v42, v13  }
0x76: {  	v47 =	vsel vm5, $0xFF800000, v53;
	v53 =	vmul.f32 $1.442695020e+00, v52;
	v44 =	vsel vm9, $0x3, v18  }
0x77: {  	vm7 =	veq.f32 v51, v41;
	v17 =	vsel vm10, $0x2, v44;
	v28 =	vadd.f32 v28, v14  }
0x78: {  	v46 =	vsel vm7, $0xFF800000, v51;
	v51 =	vmul.f32 $1.442695020e+00, v21;
	v17 =	vsel vm11, $0x1, v17  }
0x79: {  	v31 =	vmax.f32 v46, v47;
	v17 =	vsel vm7, $0x0, v17;
	v45 =	vadd.f32 v28, v15  }
0x7a: {  	vm6 =	veq.s32 v17, $0x2;
	vm4 =	veq.s32 v17, $0x3;
	vm3 =	veq.s32 v17, $0x4  }
0x7b: {  	vm2 =	veq.s32 v17, $0x5;
	vm1 =	veq.s32 v17, $0x6;
	v48 =	vsel vm6, $0xFF800000, v54  }
0x7c: {  	v29 =	vld [tilespmem:$0x30];
	v35 =	vpop (erf);
	vm0 =	veq.s32 v17, $0x7;
	v32 =	vsel vm4, $0xFF800000, v57;
	v31 =	vmax.f32 v31, v48  }
0x7d: {  	v17 =	vnsel vm15, $0x0, v35;
	v28 =	vld [tilespmem:$0x70];
	v33 =	vsel vm3, $0xFF800000, v59;
	v31 =	vmax.f32 v31, v32  }
0x7e: {  	v34 =	vsel vm2, $0xFF800000, v61;
	v61 =	vld [tilespmem:$0xB0];
	v18 =	vadd.f32 v45, v16;
	v31 =	vmax.f32 v31, v33  }
0x7f: {  	v36 =	vsel vm1, $0xFF800000, v63;
	v54 =	vsub.f32 v59, v41;
	v31 =	vmax.f32 v31, v34  }
0x80: {  	v49 =	vsel vm0, $0xFF800000, v27;
	v18 =	vadd.f32 v18, v17;
	v31 =	vmax.f32 v31, v36  }
0x81: {  	v41 =	vmul.f32 $1.442695020e+00, v22;
	v55 =	vmul.f32 $1.442695020e+00, v54;
	v31 =	vmax.f32 v31, v49  }
0x82: {  	v42 =	vmax.f32 v29, v28;
	(erf) = vrcp.f32 v18;
	vm13 =	veq.f32 v49, v31  }
0x83: {  	v43 =	vmax.f32 v42, v61;
	vm14 =	veq.f32 v36, v31;
	v50 =	vsel vm13, $0x7, v0  }
0x84: {  	(erf) = vpow2.f32 v19;
	vm15 =	veq.f32 v34, v31;
	v18 =	vsel vm14, $0x6, v50  }
0x85: {  	vm12 =	veq.f32 v33, v31;
	(erf) = vpow2.f32 v51;
	v18 =	vsel vm15, $0x5, v18  }
0x86: {  	vm13 =	veq.f32 v32, v31;
	(erf) = vpow2.f32 v20;
	v18 =	vsel vm12, $0x4, v18  }
0x87: {  	v20 =	vmul.f32 $1.442695020e+00, v56;
	vm14 =	veq.f32 v48, v31;
	v18 =	vsel vm13, $0x3, v18  }
0x88: {  	(erf) = vpow2.f32 v53;
	vm15 =	veq.f32 v47, v31;
	v18 =	vsel vm14, $0x2, v18  }
0x89: {  	vm12 =	veq.f32 v46, v31;
	vm13 =	vne.f32 v46, v31;
	v57 =	vsel vm15, $0x1, v18  }
0x8a: {  	v63 =	vld [tilespmem:$0xF0];
	vm7 =	vmor vm7, vm12;
	vm14 =	vmand vm13, vm15;
	v60 =	vsel vm12, $0x0, v57  }
0x8b: {  	v27 =	vld [tilespmem:$0x130];
	vm5 =	vmor vm5, vm14;
	v18 =	vpop (erf);
	(erf) = vpow2.f32 v55;
	vm15 =	veq.s32 v60, $0x2  }
0x8c: {  	v32 =	vld [tilespmem:$0x170];
	vm12 =	veq.s32 v60, $0x3;
	vm13 =	veq.s32 v60, $0x4;
	vm14 =	veq.s32 v60, $0x5  }
0x8d: {  	v33 =	vld [tilespmem:$0x1B0];
	v59 =	vpop (erf);
	(erf) = vpow2.f32 v20;
	vm6 =	vmor vm6, vm15;
	vm4 =	vmor vm4, vm12  }
0x8e: {  	v34 =	vld [tilespmem:$0x1F0];
	vm3 =	vmor vm3, vm13;
	vm2 =	vmor vm2, vm14;
	vm15 =	veq.s32 v60, $0x6  }
0x8f: {  	v19 =	vnsel vm7, $0x0, v59;
	v62 =	vpop (erf);
	(erf) = vpow2.f32 v23;
	v23 =	vmax.f32 v43, v63  }
0x90: {  	vm1 =	vmor vm1, vm15;
	vm7 =	veq.s32 v60, $0x7;
	v46 =	vmax.f32 v23, v27  }
0x91: {  	v39 =	vpop (erf);
	v21 =	vnsel vm5, $0x0, v62;
	vm0 =	vmor vm0, vm7;
	v47 =	vmax.f32 v46, v32  }
0x92: {  	v20 =	vnsel vm6, $0x0, v39;
	v40 =	vpop (erf);
	v45 =	vadd.f32 v21, v19;
	v50 =	vmax.f32 v47, v33  }
0x93: {  	(erf) = vpow2.f32 v41;
	v22 =	vnsel vm4, $0x0, v40;
	v37 =	vmax.f32 v50, v34  }
0x94: {  	v49 =	vadd.f32 v20, v45;
	vm6 =	veq.f32 v34, v37;
	vm8 =	veq.f32 v33, v37  }
0x95: {  	vm9 =	veq.f32 v32, v37;
	vm10 =	veq.f32 v27, v37;
	vm11 =	veq.f32 v63, v37  }
0x96: {  	vm12 =	veq.f32 v61, v37;
	vm13 =	veq.f32 v28, v37;
	vm14 =	vne.f32 v29, v37  }
0x97: {  	v52 =	vadd.f32 v49, v22;
	v53 =	vsel vm6, $0x7, v0;
	vm6 =	veq.f32 v29, v37  }
0x98: {  	vm7 =	vmand vm14, vm13;
	v26 =	vsel vm8, $0x6, v53;
	v56 =	vsel vm6, $0xFF800000, v29  }
0x99: {  	v44 =	vpop (erf);
	v39 =	vsel vm7, $0xFF800000, v28;
	v29 =	vsub.f32 v29, v37;
	v26 =	vsel vm9, $0x5, v26  }
0x9a: {  	v28 =	vsub.f32 v28, v37;
	v23 =	vnsel vm3, $0x0, v44;
	v38 =	vsel vm10, $0x4, v26  }
0x9b: {  	v48 =	vpop (erf);
	v41 =	vmax.f32 v56, v39;
	v35 =	vadd.f32 v52, v23;
	v55 =	vsel vm11, $0x3, v38  }
0x9c: {  	v24 =	vnsel vm2, $0x0, v48;
	v51 =	vpop (erf);
	v29 =	vmul.f32 $1.442695020e+00, v29;
	v36 =	vsel vm12, $0x2, v55  }
0x9d: {  	v28 =	vmul.f32 $1.442695020e+00, v28;
	v54 =	vpop (erf);
	v35 =	vadd.f32 v35, v24;
	v36 =	vsel vm13, $0x1, v36  }
0x9e: {  	v25 =	vnsel vm1, $0x0, v51;
	v26 =	vnsel vm0, $0x0, v54;
	v36 =	vsel vm6, $0x0, v36  }
0x9f: {  	v35 =	vadd.f32 v35, v25;
	vm5 =	veq.s32 v36, $0x2;
	vm4 =	veq.s32 v36, $0x3  }
0xa0: {  	vm3 =	veq.s32 v36, $0x4;
	vm2 =	veq.s32 v36, $0x5;
	vm1 =	veq.s32 v36, $0x6  }
0xa1: {  	vm0 =	veq.s32 v36, $0x7;
	v35 =	vadd.f32 v35, v26;
	v40 =	vsel vm5, $0xFF800000, v61  }
0xa2: {  	v42 =	vsel vm4, $0xFF800000, v63;
	v43 =	vsel vm3, $0xFF800000, v27;
	v44 =	vsel vm2, $0xFF800000, v32  }
0xa3: {  	v45 =	vsel vm1, $0xFF800000, v33;
	v58 =	vsel vm0, $0xFF800000, v34;
	v41 =	vmax.f32 v41, v40  }
0xa4: {  	v61 =	vsub.f32 v61, v37;
	v63 =	vsub.f32 v63, v37;
	v41 =	vmax.f32 v41, v42  }
0xa5: {  	v27 =	vsub.f32 v27, v37;
	(erf) = vrcp.f32 v35;
	v41 =	vmax.f32 v41, v43  }
0xa6: {  	(erf) = vpow2.f32 v29;
	v29 =	vmul.f32 $1.442695020e+00, v61;
	v57 =	vmax.f32 v41, v44  }
0xa7: {  	v30 =	vmul.f32 $1.442695020e+00, v63;
	(erf) = vpow2.f32 v28;
	v36 =	vmax.f32 v57, v45  }
0xa8: {  	v27 =	vmul.f32 $1.442695020e+00, v27;
	(erf) = vpow2.f32 v29;
	v59 =	vmax.f32 v36, v58  }
0xa9: {  	(erf) = vpow2.f32 v30;
	v36 =	vsub.f32 v32, v37;
	vm15 =	veq.f32 v58, v59  }
0xaa: {  	vm12 =	veq.f32 v45, v59;
	vm13 =	veq.f32 v44, v59;
	vm14 =	veq.f32 v43, v59  }
0xab: {  	v60 =	vsel vm15, $0x7, v0;
	vm15 =	veq.f32 v42, v59;
	v42 =	vsub.f32 v34, v37  }
0xac: {  	v62 =	vsel vm12, $0x6, v60;
	vm12 =	veq.f32 v40, v59;
	v40 =	vsub.f32 v33, v37  }
0xad: {  	v28 =	vsel vm13, $0x5, v62;
	vm13 =	veq.f32 v39, v59;
	v39 =	vmul.f32 $1.442695020e+00, v36  }
0xae: {  	v28 =	vsel vm14, $0x4, v28;
	vm14 =	vne.f32 v56, v59;
	v38 =	vpop (erf);
	(erf) = vpow2.f32 v27  }
0xaf: {  	v29 =	vmul.f32 $1.442695020e+00, v40;
	v27 =	vmul.f32 $1.442695020e+00, v42;
	v28 =	vsel vm15, $0x3, v28  }
0xb0: {  	vm15 =	veq.f32 v56, v59;
	vm8 =	vmand vm14, vm13;
	v28 =	vsel vm12, $0x2, v28  }
0xb1: {  	v41 =	vpop (erf);
	(erf) = vpow2.f32 v39;
	vm6 =	vmor vm6, vm15;
	v28 =	vsel vm13, $0x1, v28  }
0xb2: {  	vm7 =	vmor vm7, vm8;
	v43 =	vpop (erf);
	(erf) = vpow2.f32 v29;
	v28 =	vsel vm15, $0x0, v28  }
0xb3: {  	v31 =	vnsel vm6, $0x0, v41;
	v32 =	vnsel vm7, $0x0, v43;
	vm10 =	veq.s32 v28, $0x2  }
0xb4: {  	[tilespmem:$0x280] =	vst v1;
	v1 =	vmul.f32 v9, v5;
	v44 =	vpop (erf);
	v45 =	vadd.f32 v32, v31;
	vm5 =	vmor vm5, vm10  }
0xb5: {  	(erf) = vpow2.f32 v27;
	vm11 =	veq.s32 v28, $0x3;
	v29 =	vnsel vm5, $0x0, v44  }
0xb6: {  	v2 =	vmul.f32 v9, v2;
	[tilespmem:$0x240] =	vst v3;
	v46 =	vpop (erf);
	vm4 =	vmor vm4, vm11;
	v47 =	vadd.f32 v29, v45  }
0xb7: {  	[tilespmem:$0x300] =	vst v1;
	v1 =	vmul.f32 v9, v6;
	vm12 =	veq.s32 v28, $0x4;
	v3 =	vnsel vm4, $0x0, v46  }
0xb8: {  	[tilespmem:$0x2C0] =	vst v2;
	v2 =	vmul.f32 v9, v7;
	vm3 =	vmor vm3, vm12;
	v48 =	vpop (erf);
	v4 =	vadd.f32 v47, v3  }
0xb9: {  	[tilespmem:$0x380] =	vst v1;
	v1 =	vmul.f32 v18, v11;
	vm13 =	veq.s32 v28, $0x5;
	v49 =	vnsel vm3, $0x0, v48  }
0xba: {  	[tilespmem:$0x340] =	vst v2;
	v2 =	vmul.f32 v9, v8;
	vm2 =	vmor vm2, vm13;
	v50 =	vpop (erf);
	v4 =	vadd.f32 v4, v49  }
0xbb: {  	[tilespmem:$0x210] =	vst v1;
	v1 =	vmul.f32 v18, v12;
	vm14 =	veq.s32 v28, $0x6;
	v51 =	vnsel vm2, $0x0, v50  }
0xbc: {  	[tilespmem:$0x3C0] =	vst v2;
	vm1 =	vmor vm1, vm14;
	v52 =	vpop (erf);
	v4 =	vadd.f32 v4, v51  }
0xbd: {  	[tilespmem:$0x290] =	vst v1;
	v1 =	vmul.f32 v18, v14;
	vm15 =	veq.s32 v28, $0x7;
	v2 =	vnsel vm1, $0x0, v52  }
0xbe: {  	vm0 =	vmor vm0, vm15;
	v54 =	vpop (erf);
	v4 =	vadd.f32 v4, v2  }
0xbf: {  	[tilespmem:$0x310] =	vst v1;
	v1 =	vmul.f32 v18, v16;
	v8 =	vnsel vm0, $0x0, v54  }
0xc0: {  	v53 =	vmul.f32 v18, v10;
	v4 =	vadd.f32 v4, v8  }
0xc1: {  	[tilespmem:$0x390] =	vst v1;
	v55 =	vmul.f32 v18, v13  }
0xc2: {  	[tilespmem:$0x250] =	vst v53;
	v57 =	vmul.f32 v18, v17;
	(erf) = vrcp.f32 v4  }
0xc3: {  	[tilespmem:$0x2D0] =	vst v55;
	v56 =	vmul.f32 v18, v15  }
0xc4: {  	[tilespmem:$0x3D0] =	vst v57;
	v1 =	vmul.f32 v38, v19  }
0xc5: {  	v58 =	vmul.f32 v38, v21;
	[tilespmem:$0x350] =	vst v56  }
0xc6: {  	[tilespmem:$0x220] =	vst v1;
	v1 =	vmul.f32 v38, v20  }
0xc7: {  	v59 =	vmul.f32 v38, v22;
	[tilespmem:$0x260] =	vst v58  }
0xc8: {  	[tilespmem:$0x2A0] =	vst v1;
	v1 =	vmul.f32 v38, v23  }
0xc9: {  	v60 =	vmul.f32 v38, v24;
	[tilespmem:$0x2E0] =	vst v59  }
0xca: {  	[tilespmem:$0x320] =	vst v1;
	v1 =	vmul.f32 v38, v25  }
0xcb: {  	v61 =	vmul.f32 v38, v26;
	[tilespmem:$0x360] =	vst v60;
	v62 =	vpop (erf)  }
0xcc: {  	[tilespmem:$0x3A0] =	vst v1;
	v1 =	vmul.f32 v62, v31  }
0xcd: {  	[tilespmem:$0x3E0] =	vst v61;
	v63 =	vmul.f32 v62, v32  }
0xce: {  	[tilespmem:$0x230] =	vst v1;
	v1 =	vmul.f32 v62, v29  }
0xcf: {  	v3 =	vmul.f32 v62, v3;
	[tilespmem:$0x270] =	vst v63  }
0xd0: {  	[tilespmem:$0x2B0] =	vst v1;
	v1 =	vmul.f32 v62, v49  }
0xd1: {  	[tilespmem:$0x2F0] =	vst v3;
	v3 =	vmul.f32 v62, v51  }
0xd2: {  	[tilespmem:$0x330] =	vst v1;
	v1 =	vmul.f32 v62, v2  }
0xd3: {  	[tilespmem:$0x370] =	vst v3;
	v2 =	vmul.f32 v62, v8  }
0xd4: {  	p0 =	sne.s32 s4, $0x1;
	[tilespmem:$0x3B0] =	vst v1  }
.Ltmp1:
0xd5: {  	[tilespmem:$0x3F0] =	vst v2;
	(pc) =	sbr.rel @p0 .LBB2_2-.Ltmp1, $4  }
0xd6: {  	[hbm4b:s3+s5] =	stream.linear.scatter [tilespmem:s7], [sflag:$0x1], $0x200, $0x38;
	[tilespmem:$0x400] =	vst v63  }
0xd7: {  	_ =	swait.ge [sflag:s6], $0x200  }
0xd8: {  	[sflag:s6] =	ssyncset.done $0x0  }
0xd9: {  	s4 =	sadd.s32 $0xFFFFFFFF, s4;
	[sflag:s6] =	ssyncadd.s32 $0xFFFFFE00  }
.LBB2_3:
0xda: {  	_ =	sfence.sel $0x180000  }
0xdb: {  	[bflag:$0x0] =	sbarrier.arrive $0xFFFF  }
0xdc: {  	p0 =	sne.s32 s0, $0x0;
	_ =	strace $0x90000047  }
0xdd: {  	s0 =	sadd.s32 @!p0 $0x100000, s1;
	[bflag:$0x2] =	sbarrier.arrive $0xFFFF  }
0xde: {  	[sflag:s0] =	ssyncadd.tile.s32 @!p0 $0x1;
	_ =	shalt  }
.Lfunc_end2:
_tile_overlayer_lowered:
.L_overlay_start_2:
0xdf: {  	(tag) =	ssettag $0x2  }
0xe0: {  	s0 =	rddreg [dreg:$0x0];
	s2 =	stileid.u32  }
0xe1: {  	s1 =	rddreg [dreg:$0x1];
	p0 =	sne.s32 s2, $0x0  }
0xe2: {  	s3 =	rddreg [dreg:$0x2];
	[bflag:$0x3] =	sbarrier.arrive $0xFFFF;
	s2 =	simm.s32 @!p0 $0x1C01  }
0xe3: {  	[timem:s3], [sflag:s2] =	dma.local @!p0 [hbm:s0], s1  }
0xe4: {  	s0 =	simm.s32 @!p0 $0x1  }
0xe5: {  	_ =	swait.ge @!p0 [sflag:s0], s1  }
0xe6: {  	s1 =	ssub.s32 @!p0 $0x0, s1;
	[sflag:s0] =	ssyncset.done @!p0 $0x0  }
0xe7: {  	[sflag:s0] =	ssyncadd.s32 @!p0 s1  }
0xe8: {  	[bflag:$0x3] =	sbarrier.arrive $0xFFFF  }
0xe9: {  	_ =	shalt  }

</sc_bundles>
